<compile_context>
chip_gen: v7x
topology: tpu7x:2x2x1
jax: 0.10.2.dev20260603
libtpu: 0.0.44.dev20260713+nightly
codegen_flags: <defaults>
</compile_context>

<pallas_src>
import functools

import jax
import jax.numpy as jnp
from jax import lax
from jax.experimental import pallas as pl
from jax.experimental.pallas import tpu as pltpu
from jax.experimental.pallas import tpu_sc as plsc

N = 10000
E = 320000
DIM = 128

NC = 2
NS = 16
NW = NC * NS
EPW = E // NW
CHUNK = 80
NCHUNK = EPW // CHUNK
ROWS_PT = N // NS
ZROWS = 25
QSTEPS = CHUNK // 16


def _sc_body_with_acc(x_hbm, src_hbm, dst_hbm, out_hbm, hist_hbm,
                      acc, src_v, dst_v, rows_a, rows_b, hist,
                      sem_ga, sem_gb, sem_sa, sem_sb):
    c = lax.axis_index("c")
    s = lax.axis_index("s")
    wid = c * NS + s

    zero16 = jnp.zeros((16,), jnp.float32)
    for r in range(ZROWS):
        for q in range(DIM // 16):
            rows_a[r, pl.ds(q * 16, 16)] = zero16

    pltpu.sync_copy(src_hbm.at[pl.ds(wid * NCHUNK, NCHUNK)], src_v)
    pltpu.sync_copy(dst_hbm.at[pl.ds(wid * NCHUNK, NCHUNK)], dst_v)

    def _zero_step(i, carry):
        pltpu.sync_copy(rows_a.at[pl.ds(0, ZROWS)],
                        acc.at[pl.ds(s * ROWS_PT + i * ZROWS, ZROWS)])
        return carry

    lax.fori_loop(0, ROWS_PT // ZROWS, _zero_step, 0)

    def _zero_hist(i, carry):
        hist[pl.ds(i * 16, 16)] = zero16
        return carry

    lax.fori_loop(0, N // 16, _zero_hist, 0)
    plsc.subcore_barrier()

    ones16 = jnp.ones((16,), jnp.float32)

    def _hist_chunk(j):
        for q in range(QSTEPS):
            idx = dst_v[j, pl.ds(q * 16, 16)]
            plsc.addupdate_scatter(hist, [idx], ones16)

    dummy = x_hbm.at[pl.ds(0, CHUNK)]
    pltpu.async_copy(x_hbm.at[src_v.at[0]], rows_a, sem_ga)
    pltpu.async_copy(x_hbm.at[src_v.at[1]], rows_b, sem_gb)

    def _pair_step(i, carry):
        pltpu.make_async_copy(dummy, rows_a, sem_ga).wait()
        pltpu.async_copy(rows_a, acc.at[dst_v.at[2 * i]], sem_sa, add=True)
        _hist_chunk(2 * i)
        pltpu.make_async_copy(dummy, rows_b, sem_gb).wait()
        pltpu.async_copy(rows_b, acc.at[dst_v.at[2 * i + 1]], sem_sb, add=True)
        pltpu.make_async_copy(dummy, rows_a, sem_sa).wait()
        ga = jnp.minimum(2 * i + 2, NCHUNK - 1)
        pltpu.async_copy(x_hbm.at[src_v.at[ga]], rows_a, sem_ga)
        _hist_chunk(2 * i + 1)
        pltpu.make_async_copy(dummy, rows_b, sem_sb).wait()
        gb = jnp.minimum(2 * i + 3, NCHUNK - 1)
        pltpu.async_copy(x_hbm.at[src_v.at[gb]], rows_b, sem_gb)
        return carry

    lax.fori_loop(0, NCHUNK // 2, _pair_step, 0)
    pltpu.make_async_copy(dummy, rows_a, sem_ga).wait()
    pltpu.async_copy(rows_a, acc.at[dst_v.at[NCHUNK - 1]], sem_sa, add=True)
    _hist_chunk(NCHUNK - 1)
    pltpu.make_async_copy(dummy, rows_b, sem_gb).wait()
    pltpu.make_async_copy(dummy, rows_a, sem_sa).wait()
    plsc.subcore_barrier()

    pltpu.sync_copy(acc.at[pl.ds(s * ROWS_PT, ROWS_PT)],
                    out_hbm.at[c, pl.ds(s * ROWS_PT, ROWS_PT)])
    pltpu.sync_copy(hist, hist_hbm.at[c, s])


_sc_aggregate = pl.kernel(
    _sc_body_with_acc,
    out_type=[jax.ShapeDtypeStruct((NC, N, DIM), jnp.float32),
              jax.ShapeDtypeStruct((NC, NS, N), jnp.float32)],
    mesh=plsc.VectorSubcoreMesh(core_axis_name="c", subcore_axis_name="s"),
    compiler_params=pltpu.CompilerParams(use_tc_tiling_on_sc=False,
                                         needs_layout_passes=False),
    scratch_types=[
        pltpu.VMEM_SHARED((N, DIM), jnp.float32),
        pltpu.VMEM((NCHUNK, CHUNK), jnp.int32),
        pltpu.VMEM((NCHUNK, CHUNK), jnp.int32),
        pltpu.VMEM((CHUNK, DIM), jnp.float32),
        pltpu.VMEM((CHUNK, DIM), jnp.float32),
        pltpu.VMEM((N,), jnp.float32),
        pltpu.SemaphoreType.DMA,
        pltpu.SemaphoreType.DMA,
        pltpu.SemaphoreType.DMA,
        pltpu.SemaphoreType.DMA,
    ],
)


RB = 5000


def _xr_body(x_ref, wr_ref, bl_ref, o_ref):
    h = lax.dot_general(x_ref[...], wr_ref[...], (((1,), (1,)), ((), ())),
                        precision=lax.Precision.DEFAULT,
                        preferred_element_type=jnp.float32)
    o_ref[...] = h + bl_ref[...]


def _tc_xr(x, W_r, b_l2):
    return pl.pallas_call(
        _xr_body,
        grid=(N // RB,),
        in_specs=[
            pl.BlockSpec((RB, DIM), lambda i: (i, 0)),
            pl.BlockSpec((DIM, DIM), lambda i: (0, 0)),
            pl.BlockSpec((1, DIM), lambda i: (0, 0)),
        ],
        out_specs=pl.BlockSpec((RB, DIM), lambda i: (i, 0)),
        out_shape=jax.ShapeDtypeStruct((N, DIM), jnp.float32),
    )(x, W_r, b_l2)


def _combine_body(p_ref, h_ref, xr_ref, wl_ref, o_ref):
    acc = p_ref[0] + p_ref[1]
    cnt = jnp.sum(h_ref[...], axis=1)
    cnt = jnp.maximum(cnt, 1.0)[:, None]
    mean = acc / cnt
    h = lax.dot_general(mean, wl_ref[...], (((1,), (1,)), ((), ())),
                        precision=lax.Precision.DEFAULT,
                        preferred_element_type=jnp.float32)
    h = h + xr_ref[...]
    o_ref[...] = jnp.maximum(h, 0.0)


def _tc_combine(partials, hists, xr, W_l):
    return pl.pallas_call(
        _combine_body,
        grid=(N // RB,),
        in_specs=[
            pl.BlockSpec((NC, RB, DIM), lambda i: (0, i, 0)),
            pl.BlockSpec((RB, NW), lambda i: (i, 0)),
            pl.BlockSpec((RB, DIM), lambda i: (i, 0)),
            pl.BlockSpec((DIM, DIM), lambda i: (0, 0)),
        ],
        out_specs=pl.BlockSpec((RB, DIM), lambda i: (i, 0)),
        out_shape=jax.ShapeDtypeStruct((N, DIM), jnp.float32),
    )(partials, hists, xr, W_l)


def kernel(x, edge_index, W_l, b_l, W_r):
    ei = edge_index.astype(jnp.int32)
    src = ei[0].reshape(NW * NCHUNK, CHUNK)
    dst = ei[1].reshape(NW * NCHUNK, CHUNK)
    xr = _tc_xr(x, W_r, b_l.reshape(1, DIM))
    partials, hists = _sc_aggregate(x, src, dst)
    hs = hists.reshape(NW, N).T
    return _tc_combine(partials, hs, xr, W_l)

# --- scband reference (transcript-rebuilt; emitter-appended) ---
"""Pipeline reference for scband-sagemodule-88364657148502 (READ-ONLY COPY).

The authoritative reference and input builder live on the scoring server;
editing this copy changes nothing except your own understanding.
"""

import jax, jax.numpy as jnp
import numpy as np

N = 10000
E = 320000
DIM = 128

def setup_inputs(seed: int = 0) -> dict:
    key = jax.random.key(seed)
    k1, k2, k3, k4, k5 = jax.random.split(key, 5)
    x = jax.random.normal(k1, (N, DIM), dtype=jnp.float32)
    edge_index = jax.random.randint(k2, (2, E), 0, N, dtype=jnp.int64)
    # SAGEConv params: lin_l (applied to aggregated neighbors, with bias), lin_r (applied to root, no bias)
    scale = 1.0 / np.sqrt(DIM)
    W_l = jax.random.uniform(k3, (DIM, DIM), dtype=jnp.float32, minval=-scale, maxval=scale)
    b_l = jax.random.uniform(k4, (DIM,), dtype=jnp.float32, minval=-scale, maxval=scale)
    W_r = jax.random.uniform(k5, (DIM, DIM), dtype=jnp.float32, minval=-scale, maxval=scale)
    return {"x": x, "edge_index": edge_index, "W_l": W_l, "b_l": b_l, "W_r": W_r}

def reference(x, edge_index, W_l, b_l, W_r):
    # PyG SAGEConv with mean aggregation:
    # out = lin_l(mean_{j in N(i)} x_j) + lin_r(x_i)
    src = edge_index[0]
    dst = edge_index[1]
    msgs = jnp.take(x, src, axis=0)                                  # gather [E, DIM]
    seg_sum = jax.ops.segment_sum(msgs, dst, num_segments=N)          # scatter-add [N, DIM]
    counts = jax.ops.segment_sum(jnp.ones((E,), dtype=x.dtype), dst, num_segments=N)
    mean_aggr = seg_sum / jnp.clip(counts, 1.0, None)[:, None]
    out = mean_aggr @ W_l.T + b_l + x @ W_r.T
    out = jax.nn.relu(out)
    # dropout p=0.0 -> identity; module returns (x, edge_attr) with edge_attr=None
    return out

if __name__ == "__main__":
    import jax
    _d = setup_inputs()
    print(jax.jit(kernel)(*tuple(_d.values())))

</pallas_src>

<mosaic_0001>
#map = affine_map<(d0, d1) -> (0, 0)>
#map1 = affine_map<(d0, d1) -> (0, 0, 0)>
module attributes {stable_mosaic.version = 14 : i64} {
  func.func @_sc_body_with_acc(%arg0: i32, %arg1: i32, %arg2: memref<10000x128xf32, #tpu.memory_space<hbm>>, %arg3: memref<4000x80xi32, #tpu.memory_space<hbm>>, %arg4: memref<4000x80xi32, #tpu.memory_space<hbm>>, %arg5: memref<2x10000x128xf32, #tpu.memory_space<hbm>>, %arg6: memref<2x16x10000xf32, #tpu.memory_space<hbm>>, %arg7: memref<10000x128xf32, #tpu.memory_space<vmem_shared>>, %arg8: memref<125x80xi32, #tpu.memory_space<vmem>>, %arg9: memref<125x80xi32, #tpu.memory_space<vmem>>, %arg10: memref<80x128xf32, #tpu.memory_space<vmem>>, %arg11: memref<80x128xf32, #tpu.memory_space<vmem>>, %arg12: memref<10000xf32, #tpu.memory_space<vmem>>, %arg13: memref<!tpu.dma_semaphore, #tpu.memory_space<semaphore_mem>>, %arg14: memref<!tpu.dma_semaphore, #tpu.memory_space<semaphore_mem>>, %arg15: memref<!tpu.dma_semaphore, #tpu.memory_space<semaphore_mem>>, %arg16: memref<!tpu.dma_semaphore, #tpu.memory_space<semaphore_mem>>) attributes {dimension_semantics = [#tpu.dimension_semantics<core_parallel>, #tpu.dimension_semantics<subcore_parallel>], iteration_bounds = array<i64: 2, 16>, scalar_prefetch = 0 : i64, scratch_operands = 10 : i64, tpu.core_type = #tpu.core_type<sc_vector_subcore>, window_params = [{transform_indices = #map}, {transform_indices = #map}, {transform_indices = #map}, {transform_indices = #map1}, {transform_indices = #map1}]} {
    %mul3A = arith.constant 16 : i32
    %mul3A_0 = arith.muli %arg0, %mul3A : i32
    %add3A = arith.addi %mul3A_0, %arg1 : i32
    %broadcast_in_dim3A = arith.constant 0.000000e+00 : f32
    %broadcast_in_dim3A_1 = vector.broadcast %broadcast_in_dim3A : f32 to vector<16xf32>
    %swap3A = arith.constant 0 : i32
    %swap3A_2 = arith.index_cast %swap3A : i32 to index
    %swap3A_3 = arith.constant 0 : index
    %swap3A_4 = tpu.vector_load %arg10[%swap3A_2, %swap3A_3] {strides = array<i32>} : memref<80x128xf32, #tpu.memory_space<vmem>>, vector<16xf32>,
    tpu.vector_store %arg10[%swap3A_2, %swap3A_3], %broadcast_in_dim3A_1 {strides = array<i32>} : memref<80x128xf32, #tpu.memory_space<vmem>>, vector<16xf32>,
    %swap3A_5 = arith.constant 0 : i32
    %swap3A_6 = arith.index_cast %swap3A_5 : i32 to index
    %swap3A_7 = arith.constant 16 : index
    %swap3A_8 = tpu.vector_load %arg10[%swap3A_6, %swap3A_7] {strides = array<i32>} : memref<80x128xf32, #tpu.memory_space<vmem>>, vector<16xf32>,
    tpu.vector_store %arg10[%swap3A_6, %swap3A_7], %broadcast_in_dim3A_1 {strides = array<i32>} : memref<80x128xf32, #tpu.memory_space<vmem>>, vector<16xf32>,
    %swap3A_9 = arith.constant 0 : i32
    %swap3A_10 = arith.index_cast %swap3A_9 : i32 to index
    %swap3A_11 = arith.constant 32 : index
    %swap3A_12 = tpu.vector_load %arg10[%swap3A_10, %swap3A_11] {strides = array<i32>} : memref<80x128xf32, #tpu.memory_space<vmem>>, vector<16xf32>,
    tpu.vector_store %arg10[%swap3A_10, %swap3A_11], %broadcast_in_dim3A_1 {strides = array<i32>} : memref<80x128xf32, #tpu.memory_space<vmem>>, vector<16xf32>,
    %swap3A_13 = arith.constant 0 : i32
    %swap3A_14 = arith.index_cast %swap3A_13 : i32 to index
    %swap3A_15 = arith.constant 48 : index
    %swap3A_16 = tpu.vector_load %arg10[%swap3A_14, %swap3A_15] {strides = array<i32>} : memref<80x128xf32, #tpu.memory_space<vmem>>, vector<16xf32>,
    tpu.vector_store %arg10[%swap3A_14, %swap3A_15], %broadcast_in_dim3A_1 {strides = array<i32>} : memref<80x128xf32, #tpu.memory_space<vmem>>, vector<16xf32>,
    %swap3A_17 = arith.constant 0 : i32
    %swap3A_18 = arith.index_cast %swap3A_17 : i32 to index
    %swap3A_19 = arith.constant 64 : index
    %swap3A_20 = tpu.vector_load %arg10[%swap3A_18, %swap3A_19] {strides = array<i32>} : memref<80x128xf32, #tpu.memory_space<vmem>>, vector<16xf32>,
    tpu.vector_store %arg10[%swap3A_18, %swap3A_19], %broadcast_in_dim3A_1 {strides = array<i32>} : memref<80x128xf32, #tpu.memory_space<vmem>>, vector<16xf32>,
    %swap3A_21 = arith.constant 0 : i32
    %swap3A_22 = arith.index_cast %swap3A_21 : i32 to index
    %swap3A_23 = arith.constant 80 : index
    %swap3A_24 = tpu.vector_load %arg10[%swap3A_22, %swap3A_23] {strides = array<i32>} : memref<80x128xf32, #tpu.memory_space<vmem>>, vector<16xf32>,
    tpu.vector_store %arg10[%swap3A_22, %swap3A_23], %broadcast_in_dim3A_1 {strides = array<i32>} : memref<80x128xf32, #tpu.memory_space<vmem>>, vector<16xf32>,
    %swap3A_25 = arith.constant 0 : i32
    %swap3A_26 = arith.index_cast %swap3A_25 : i32 to index
    %swap3A_27 = arith.constant 96 : index
    %swap3A_28 = tpu.vector_load %arg10[%swap3A_26, %swap3A_27] {strides = array<i32>} : memref<80x128xf32, #tpu.memory_space<vmem>>, vector<16xf32>,
    tpu.vector_store %arg10[%swap3A_26, %swap3A_27], %broadcast_in_dim3A_1 {strides = array<i32>} : memref<80x128xf32, #tpu.memory_space<vmem>>, vector<16xf32>,
    %swap3A_29 = arith.constant 0 : i32
    %swap3A_30 = arith.index_cast %swap3A_29 : i32 to index
    %swap3A_31 = arith.constant 112 : index
    %swap3A_32 = tpu.vector_load %arg10[%swap3A_30, %swap3A_31] {strides = array<i32>} : memref<80x128xf32, #tpu.memory_space<vmem>>, vector<16xf32>,
    tpu.vector_store %arg10[%swap3A_30, %swap3A_31], %broadcast_in_dim3A_1 {strides = array<i32>} : memref<80x128xf32, #tpu.memory_space<vmem>>, vector<16xf32>,
    %swap3A_33 = arith.constant 1 : i32
    %swap3A_34 = arith.index_cast %swap3A_33 : i32 to index
    %swap3A_35 = arith.constant 0 : index
    %swap3A_36 = tpu.vector_load %arg10[%swap3A_34, %swap3A_35] {strides = array<i32>} : memref<80x128xf32, #tpu.memory_space<vmem>>, vector<16xf32>,
    tpu.vector_store %arg10[%swap3A_34, %swap3A_35], %broadcast_in_dim3A_1 {strides = array<i32>} : memref<80x128xf32, #tpu.memory_space<vmem>>, vector<16xf32>,
    %swap3A_37 = arith.constant 1 : i32
    %swap3A_38 = arith.index_cast %swap3A_37 : i32 to index
    %swap3A_39 = arith.constant 16 : index
    %swap3A_40 = tpu.vector_load %arg10[%swap3A_38, %swap3A_39] {strides = array<i32>} : memref<80x128xf32, #tpu.memory_space<vmem>>, vector<16xf32>,
    tpu.vector_store %arg10[%swap3A_38, %swap3A_39], %broadcast_in_dim3A_1 {strides = array<i32>} : memref<80x128xf32, #tpu.memory_space<vmem>>, vector<16xf32>,
    %swap3A_41 = arith.constant 1 : i32
    %swap3A_42 = arith.index_cast %swap3A_41 : i32 to index
    %swap3A_43 = arith.constant 32 : index
    %swap3A_44 = tpu.vector_load %arg10[%swap3A_42, %swap3A_43] {strides = array<i32>} : memref<80x128xf32, #tpu.memory_space<vmem>>, vector<16xf32>,
    tpu.vector_store %arg10[%swap3A_42, %swap3A_43], %broadcast_in_dim3A_1 {strides = array<i32>} : memref<80x128xf32, #tpu.memory_space<vmem>>, vector<16xf32>,
    %swap3A_45 = arith.constant 1 : i32
    %swap3A_46 = arith.index_cast %swap3A_45 : i32 to index
    %swap3A_47 = arith.constant 48 : index
    %swap3A_48 = tpu.vector_load %arg10[%swap3A_46, %swap3A_47] {strides = array<i32>} : memref<80x128xf32, #tpu.memory_space<vmem>>, vector<16xf32>,
    tpu.vector_store %arg10[%swap3A_46, %swap3A_47], %broadcast_in_dim3A_1 {strides = array<i32>} : memref<80x128xf32, #tpu.memory_space<vmem>>, vector<16xf32>,
    %swap3A_49 = arith.constant 1 : i32
    %swap3A_50 = arith.index_cast %swap3A_49 : i32 to index
    %swap3A_51 = arith.constant 64 : index
    %swap3A_52 = tpu.vector_load %arg10[%swap3A_50, %swap3A_51] {strides = array<i32>} : memref<80x128xf32, #tpu.memory_space<vmem>>, vector<16xf32>,
    tpu.vector_store %arg10[%swap3A_50, %swap3A_51], %broadcast_in_dim3A_1 {strides = array<i32>} : memref<80x128xf32, #tpu.memory_space<vmem>>, vector<16xf32>,
    %swap3A_53 = arith.constant 1 : i32
    %swap3A_54 = arith.index_cast %swap3A_53 : i32 to index
    %swap3A_55 = arith.constant 80 : index
    %swap3A_56 = tpu.vector_load %arg10[%swap3A_54, %swap3A_55] {strides = array<i32>} : memref<80x128xf32, #tpu.memory_space<vmem>>, vector<16xf32>,
    tpu.vector_store %arg10[%swap3A_54, %swap3A_55], %broadcast_in_dim3A_1 {strides = array<i32>} : memref<80x128xf32, #tpu.memory_space<vmem>>, vector<16xf32>,
    %swap3A_57 = arith.constant 1 : i32
    %swap3A_58 = arith.index_cast %swap3A_57 : i32 to index
    %swap3A_59 = arith.constant 96 : index
    %swap3A_60 = tpu.vector_load %arg10[%swap3A_58, %swap3A_59] {strides = array<i32>} : memref<80x128xf32, #tpu.memory_space<vmem>>, vector<16xf32>,
    tpu.vector_store %arg10[%swap3A_58, %swap3A_59], %broadcast_in_dim3A_1 {strides = array<i32>} : memref<80x128xf32, #tpu.memory_space<vmem>>, vector<16xf32>,
    %swap3A_61 = arith.constant 1 : i32
    %swap3A_62 = arith.index_cast %swap3A_61 : i32 to index
    %swap3A_63 = arith.constant 112 : index
    %swap3A_64 = tpu.vector_load %arg10[%swap3A_62, %swap3A_63] {strides = array<i32>} : memref<80x128xf32, #tpu.memory_space<vmem>>, vector<16xf32>,
    tpu.vector_store %arg10[%swap3A_62, %swap3A_63], %broadcast_in_dim3A_1 {strides = array<i32>} : memref<80x128xf32, #tpu.memory_space<vmem>>, vector<16xf32>,
    %swap3A_65 = arith.constant 2 : i32
    %swap3A_66 = arith.index_cast %swap3A_65 : i32 to index
    %swap3A_67 = arith.constant 0 : index
    %swap3A_68 = tpu.vector_load %arg10[%swap3A_66, %swap3A_67] {strides = array<i32>} : memref<80x128xf32, #tpu.memory_space<vmem>>, vector<16xf32>,
    tpu.vector_store %arg10[%swap3A_66, %swap3A_67], %broadcast_in_dim3A_1 {strides = array<i32>} : memref<80x128xf32, #tpu.memory_space<vmem>>, vector<16xf32>,
    %swap3A_69 = arith.constant 2 : i32
    %swap3A_70 = arith.index_cast %swap3A_69 : i32 to index
    %swap3A_71 = arith.constant 16 : index
    %swap3A_72 = tpu.vector_load %arg10[%swap3A_70, %swap3A_71] {strides = array<i32>} : memref<80x128xf32, #tpu.memory_space<vmem>>, vector<16xf32>,
    tpu.vector_store %arg10[%swap3A_70, %swap3A_71], %broadcast_in_dim3A_1 {strides = array<i32>} : memref<80x128xf32, #tpu.memory_space<vmem>>, vector<16xf32>,
    %swap3A_73 = arith.constant 2 : i32
    %swap3A_74 = arith.index_cast %swap3A_73 : i32 to index
    %swap3A_75 = arith.constant 32 : index
    %swap3A_76 = tpu.vector_load %arg10[%swap3A_74, %swap3A_75] {strides = array<i32>} : memref<80x128xf32, #tpu.memory_space<vmem>>, vector<16xf32>,
    tpu.vector_store %arg10[%swap3A_74, %swap3A_75], %broadcast_in_dim3A_1 {strides = array<i32>} : memref<80x128xf32, #tpu.memory_space<vmem>>, vector<16xf32>,
    %swap3A_77 = arith.constant 2 : i32
    %swap3A_78 = arith.index_cast %swap3A_77 : i32 to index
    %swap3A_79 = arith.constant 48 : index
    %swap3A_80 = tpu.vector_load %arg10[%swap3A_78, %swap3A_79] {strides = array<i32>} : memref<80x128xf32, #tpu.memory_space<vmem>>, vector<16xf32>,
    tpu.vector_store %arg10[%swap3A_78, %swap3A_79], %broadcast_in_dim3A_1 {strides = array<i32>} : memref<80x128xf32, #tpu.memory_space<vmem>>, vector<16xf32>,
    %swap3A_81 = arith.constant 2 : i32
    %swap3A_82 = arith.index_cast %swap3A_81 : i32 to index
    %swap3A_83 = arith.constant 64 : index
    %swap3A_84 = tpu.vector_load %arg10[%swap3A_82, %swap3A_83] {strides = array<i32>} : memref<80x128xf32, #tpu.memory_space<vmem>>, vector<16xf32>,
    tpu.vector_store %arg10[%swap3A_82, %swap3A_83], %broadcast_in_dim3A_1 {strides = array<i32>} : memref<80x128xf32, #tpu.memory_space<vmem>>, vector<16xf32>,
    %swap3A_85 = arith.constant 2 : i32
    %swap3A_86 = arith.index_cast %swap3A_85 : i32 to index
    %swap3A_87 = arith.constant 80 : index
    %swap3A_88 = tpu.vector_load %arg10[%swap3A_86, %swap3A_87] {strides = array<i32>} : memref<80x128xf32, #tpu.memory_space<vmem>>, vector<16xf32>,
    tpu.vector_store %arg10[%swap3A_86, %swap3A_87], %broadcast_in_dim3A_1 {strides = array<i32>} : memref<80x128xf32, #tpu.memory_space<vmem>>, vector<16xf32>,
    %swap3A_89 = arith.constant 2 : i32
    %swap3A_90 = arith.index_cast %swap3A_89 : i32 to index
    %swap3A_91 = arith.constant 96 : index
    %swap3A_92 = tpu.vector_load %arg10[%swap3A_90, %swap3A_91] {strides = array<i32>} : memref<80x128xf32, #tpu.memory_space<vmem>>, vector<16xf32>,
    tpu.vector_store %arg10[%swap3A_90, %swap3A_91], %broadcast_in_dim3A_1 {strides = array<i32>} : memref<80x128xf32, #tpu.memory_space<vmem>>, vector<16xf32>,
    %swap3A_93 = arith.constant 2 : i32
    %swap3A_94 = arith.index_cast %swap3A_93 : i32 to index
    %swap3A_95 = arith.constant 112 : index
    %swap3A_96 = tpu.vector_load %arg10[%swap3A_94, %swap3A_95] {strides = array<i32>} : memref<80x128xf32, #tpu.memory_space<vmem>>, vector<16xf32>,
    tpu.vector_store %arg10[%swap3A_94, %swap3A_95], %broadcast_in_dim3A_1 {strides = array<i32>} : memref<80x128xf32, #tpu.memory_space<vmem>>, vector<16xf32>,
    %swap3A_97 = arith.constant 3 : i32
    %swap3A_98 = arith.index_cast %swap3A_97 : i32 to index
    %swap3A_99 = arith.constant 0 : index
    %swap3A_100 = tpu.vector_load %arg10[%swap3A_98, %swap3A_99] {strides = array<i32>} : memref<80x128xf32, #tpu.memory_space<vmem>>, vector<16xf32>,
    tpu.vector_store %arg10[%swap3A_98, %swap3A_99], %broadcast_in_dim3A_1 {strides = array<i32>} : memref<80x128xf32, #tpu.memory_space<vmem>>, vector<16xf32>,
    %swap3A_101 = arith.constant 3 : i32
    %swap3A_102 = arith.index_cast %swap3A_101 : i32 to index
    %swap3A_103 = arith.constant 16 : index
    %swap3A_104 = tpu.vector_load %arg10[%swap3A_102, %swap3A_103] {strides = array<i32>} : memref<80x128xf32, #tpu.memory_space<vmem>>, vector<16xf32>,
    tpu.vector_store %arg10[%swap3A_102, %swap3A_103], %broadcast_in_dim3A_1 {strides = array<i32>} : memref<80x128xf32, #tpu.memory_space<vmem>>, vector<16xf32>,
    %swap3A_105 = arith.constant 3 : i32
    %swap3A_106 = arith.index_cast %swap3A_105 : i32 to index
    %swap3A_107 = arith.constant 32 : index
    %swap3A_108 = tpu.vector_load %arg10[%swap3A_106, %swap3A_107] {strides = array<i32>} : memref<80x128xf32, #tpu.memory_space<vmem>>, vector<16xf32>,
    tpu.vector_store %arg10[%swap3A_106, %swap3A_107], %broadcast_in_dim3A_1 {strides = array<i32>} : memref<80x128xf32, #tpu.memory_space<vmem>>, vector<16xf32>,
    %swap3A_109 = arith.constant 3 : i32
    %swap3A_110 = arith.index_cast %swap3A_109 : i32 to index
    %swap3A_111 = arith.constant 48 : index
    %swap3A_112 = tpu.vector_load %arg10[%swap3A_110, %swap3A_111] {strides = array<i32>} : memref<80x128xf32, #tpu.memory_space<vmem>>, vector<16xf32>,
    tpu.vector_store %arg10[%swap3A_110, %swap3A_111], %broadcast_in_dim3A_1 {strides = array<i32>} : memref<80x128xf32, #tpu.memory_space<vmem>>, vector<16xf32>,
    %swap3A_113 = arith.constant 3 : i32
    %swap3A_114 = arith.index_cast %swap3A_113 : i32 to index
    %swap3A_115 = arith.constant 64 : index
    %swap3A_116 = tpu.vector_load %arg10[%swap3A_114, %swap3A_115] {strides = array<i32>} : memref<80x128xf32, #tpu.memory_space<vmem>>, vector<16xf32>,
    tpu.vector_store %arg10[%swap3A_114, %swap3A_115], %broadcast_in_dim3A_1 {strides = array<i32>} : memref<80x128xf32, #tpu.memory_space<vmem>>, vector<16xf32>,
    %swap3A_117 = arith.constant 3 : i32
    %swap3A_118 = arith.index_cast %swap3A_117 : i32 to index
    %swap3A_119 = arith.constant 80 : index
    %swap3A_120 = tpu.vector_load %arg10[%swap3A_118, %swap3A_119] {strides = array<i32>} : memref<80x128xf32, #tpu.memory_space<vmem>>, vector<16xf32>,
    tpu.vector_store %arg10[%swap3A_118, %swap3A_119], %broadcast_in_dim3A_1 {strides = array<i32>} : memref<80x128xf32, #tpu.memory_space<vmem>>, vector<16xf32>,
    %swap3A_121 = arith.constant 3 : i32
    %swap3A_122 = arith.index_cast %swap3A_121 : i32 to index
    %swap3A_123 = arith.constant 96 : index
    %swap3A_124 = tpu.vector_load %arg10[%swap3A_122, %swap3A_123] {strides = array<i32>} : memref<80x128xf32, #tpu.memory_space<vmem>>, vector<16xf32>,
    tpu.vector_store %arg10[%swap3A_122, %swap3A_123], %broadcast_in_dim3A_1 {strides = array<i32>} : memref<80x128xf32, #tpu.memory_space<vmem>>, vector<16xf32>,
    %swap3A_125 = arith.constant 3 : i32
    %swap3A_126 = arith.index_cast %swap3A_125 : i32 to index
    %swap3A_127 = arith.constant 112 : index
    %swap3A_128 = tpu.vector_load %arg10[%swap3A_126, %swap3A_127] {strides = array<i32>} : memref<80x128xf32, #tpu.memory_space<vmem>>, vector<16xf32>,
    tpu.vector_store %arg10[%swap3A_126, %swap3A_127], %broadcast_in_dim3A_1 {strides = array<i32>} : memref<80x128xf32, #tpu.memory_space<vmem>>, vector<16xf32>,
    %swap3A_129 = arith.constant 4 : i32
    %swap3A_130 = arith.index_cast %swap3A_129 : i32 to index
    %swap3A_131 = arith.constant 0 : index
    %swap3A_132 = tpu.vector_load %arg10[%swap3A_130, %swap3A_131] {strides = array<i32>} : memref<80x128xf32, #tpu.memory_space<vmem>>, vector<16xf32>,
    tpu.vector_store %arg10[%swap3A_130, %swap3A_131], %broadcast_in_dim3A_1 {strides = array<i32>} : memref<80x128xf32, #tpu.memory_space<vmem>>, vector<16xf32>,
    %swap3A_133 = arith.constant 4 : i32
    %swap3A_134 = arith.index_cast %swap3A_133 : i32 to index
    %swap3A_135 = arith.constant 16 : index
    %swap3A_136 = tpu.vector_load %arg10[%swap3A_134, %swap3A_135] {strides = array<i32>} : memref<80x128xf32, #tpu.memory_space<vmem>>, vector<16xf32>,
    tpu.vector_store %arg10[%swap3A_134, %swap3A_135], %broadcast_in_dim3A_1 {strides = array<i32>} : memref<80x128xf32, #tpu.memory_space<vmem>>, vector<16xf32>,
    %swap3A_137 = arith.constant 4 : i32
    %swap3A_138 = arith.index_cast %swap3A_137 : i32 to index
    %swap3A_139 = arith.constant 32 : index
    %swap3A_140 = tpu.vector_load %arg10[%swap3A_138, %swap3A_139] {strides = array<i32>} : memref<80x128xf32, #tpu.memory_space<vmem>>, vector<16xf32>,
    tpu.vector_store %arg10[%swap3A_138, %swap3A_139], %broadcast_in_dim3A_1 {strides = array<i32>} : memref<80x128xf32, #tpu.memory_space<vmem>>, vector<16xf32>,
    %swap3A_141 = arith.constant 4 : i32
    %swap3A_142 = arith.index_cast %swap3A_141 : i32 to index
    %swap3A_143 = arith.constant 48 : index
    %swap3A_144 = tpu.vector_load %arg10[%swap3A_142, %swap3A_143] {strides = array<i32>} : memref<80x128xf32, #tpu.memory_space<vmem>>, vector<16xf32>,
    tpu.vector_store %arg10[%swap3A_142, %swap3A_143], %broadcast_in_dim3A_1 {strides = array<i32>} : memref<80x128xf32, #tpu.memory_space<vmem>>, vector<16xf32>,
    %swap3A_145 = arith.constant 4 : i32
    %swap3A_146 = arith.index_cast %swap3A_145 : i32 to index
    %swap3A_147 = arith.constant 64 : index
    %swap3A_148 = tpu.vector_load %arg10[%swap3A_146, %swap3A_147] {strides = array<i32>} : memref<80x128xf32, #tpu.memory_space<vmem>>, vector<16xf32>,
    tpu.vector_store %arg10[%swap3A_146, %swap3A_147], %broadcast_in_dim3A_1 {strides = array<i32>} : memref<80x128xf32, #tpu.memory_space<vmem>>, vector<16xf32>,
    %swap3A_149 = arith.constant 4 : i32
    %swap3A_150 = arith.index_cast %swap3A_149 : i32 to index
    %swap3A_151 = arith.constant 80 : index
    %swap3A_152 = tpu.vector_load %arg10[%swap3A_150, %swap3A_151] {strides = array<i32>} : memref<80x128xf32, #tpu.memory_space<vmem>>, vector<16xf32>,
    tpu.vector_store %arg10[%swap3A_150, %swap3A_151], %broadcast_in_dim3A_1 {strides = array<i32>} : memref<80x128xf32, #tpu.memory_space<vmem>>, vector<16xf32>,
    %swap3A_153 = arith.constant 4 : i32
    %swap3A_154 = arith.index_cast %swap3A_153 : i32 to index
    %swap3A_155 = arith.constant 96 : index
    %swap3A_156 = tpu.vector_load %arg10[%swap3A_154, %swap3A_155] {strides = array<i32>} : memref<80x128xf32, #tpu.memory_space<vmem>>, vector<16xf32>,
    tpu.vector_store %arg10[%swap3A_154, %swap3A_155], %broadcast_in_dim3A_1 {strides = array<i32>} : memref<80x128xf32, #tpu.memory_space<vmem>>, vector<16xf32>,
    %swap3A_157 = arith.constant 4 : i32
    %swap3A_158 = arith.index_cast %swap3A_157 : i32 to index
    %swap3A_159 = arith.constant 112 : index
    %swap3A_160 = tpu.vector_load %arg10[%swap3A_158, %swap3A_159] {strides = array<i32>} : memref<80x128xf32, #tpu.memory_space<vmem>>, vector<16xf32>,
    tpu.vector_store %arg10[%swap3A_158, %swap3A_159], %broadcast_in_dim3A_1 {strides = array<i32>} : memref<80x128xf32, #tpu.memory_space<vmem>>, vector<16xf32>,
    %swap3A_161 = arith.constant 5 : i32
    %swap3A_162 = arith.index_cast %swap3A_161 : i32 to index
    %swap3A_163 = arith.constant 0 : index
    %swap3A_164 = tpu.vector_load %arg10[%swap3A_162, %swap3A_163] {strides = array<i32>} : memref<80x128xf32, #tpu.memory_space<vmem>>, vector<16xf32>,
    tpu.vector_store %arg10[%swap3A_162, %swap3A_163], %broadcast_in_dim3A_1 {strides = array<i32>} : memref<80x128xf32, #tpu.memory_space<vmem>>, vector<16xf32>,
    %swap3A_165 = arith.constant 5 : i32
    %swap3A_166 = arith.index_cast %swap3A_165 : i32 to index
    %swap3A_167 = arith.constant 16 : index
    %swap3A_168 = tpu.vector_load %arg10[%swap3A_166, %swap3A_167] {strides = array<i32>} : memref<80x128xf32, #tpu.memory_space<vmem>>, vector<16xf32>,
    tpu.vector_store %arg10[%swap3A_166, %swap3A_167], %broadcast_in_dim3A_1 {strides = array<i32>} : memref<80x128xf32, #tpu.memory_space<vmem>>, vector<16xf32>,
    %swap3A_169 = arith.constant 5 : i32
    %swap3A_170 = arith.index_cast %swap3A_169 : i32 to index
    %swap3A_171 = arith.constant 32 : index
    %swap3A_172 = tpu.vector_load %arg10[%swap3A_170, %swap3A_171] {strides = array<i32>} : memref<80x128xf32, #tpu.memory_space<vmem>>, vector<16xf32>,
    tpu.vector_store %arg10[%swap3A_170, %swap3A_171], %broadcast_in_dim3A_1 {strides = array<i32>} : memref<80x128xf32, #tpu.memory_space<vmem>>, vector<16xf32>,
    %swap3A_173 = arith.constant 5 : i32
    %swap3A_174 = arith.index_cast %swap3A_173 : i32 to index
    %swap3A_175 = arith.constant 48 : index
    %swap3A_176 = tpu.vector_load %arg10[%swap3A_174, %swap3A_175] {strides = array<i32>} : memref<80x128xf32, #tpu.memory_space<vmem>>, vector<16xf32>,
    tpu.vector_store %arg10[%swap3A_174, %swap3A_175], %broadcast_in_dim3A_1 {strides = array<i32>} : memref<80x128xf32, #tpu.memory_space<vmem>>, vector<16xf32>,
    %swap3A_177 = arith.constant 5 : i32
    %swap3A_178 = arith.index_cast %swap3A_177 : i32 to index
    %swap3A_179 = arith.constant 64 : index
    %swap3A_180 = tpu.vector_load %arg10[%swap3A_178, %swap3A_179] {strides = array<i32>} : memref<80x128xf32, #tpu.memory_space<vmem>>, vector<16xf32>,
    tpu.vector_store %arg10[%swap3A_178, %swap3A_179], %broadcast_in_dim3A_1 {strides = array<i32>} : memref<80x128xf32, #tpu.memory_space<vmem>>, vector<16xf32>,
    %swap3A_181 = arith.constant 5 : i32
    %swap3A_182 = arith.index_cast %swap3A_181 : i32 to index
    %swap3A_183 = arith.constant 80 : index
    %swap3A_184 = tpu.vector_load %arg10[%swap3A_182, %swap3A_183] {strides = array<i32>} : memref<80x128xf32, #tpu.memory_space<vmem>>, vector<16xf32>,
    tpu.vector_store %arg10[%swap3A_182, %swap3A_183], %broadcast_in_dim3A_1 {strides = array<i32>} : memref<80x128xf32, #tpu.memory_space<vmem>>, vector<16xf32>,
    %swap3A_185 = arith.constant 5 : i32
    %swap3A_186 = arith.index_cast %swap3A_185 : i32 to index
    %swap3A_187 = arith.constant 96 : index
    %swap3A_188 = tpu.vector_load %arg10[%swap3A_186, %swap3A_187] {strides = array<i32>} : memref<80x128xf32, #tpu.memory_space<vmem>>, vector<16xf32>,
    tpu.vector_store %arg10[%swap3A_186, %swap3A_187], %broadcast_in_dim3A_1 {strides = array<i32>} : memref<80x128xf32, #tpu.memory_space<vmem>>, vector<16xf32>,
    %swap3A_189 = arith.constant 5 : i32
    %swap3A_190 = arith.index_cast %swap3A_189 : i32 to index
    %swap3A_191 = arith.constant 112 : index
    %swap3A_192 = tpu.vector_load %arg10[%swap3A_190, %swap3A_191] {strides = array<i32>} : memref<80x128xf32, #tpu.memory_space<vmem>>, vector<16xf32>,
    tpu.vector_store %arg10[%swap3A_190, %swap3A_191], %broadcast_in_dim3A_1 {strides = array<i32>} : memref<80x128xf32, #tpu.memory_space<vmem>>, vector<16xf32>,
    %swap3A_193 = arith.constant 6 : i32
    %swap3A_194 = arith.index_cast %swap3A_193 : i32 to index
    %swap3A_195 = arith.constant 0 : index
    %swap3A_196 = tpu.vector_load %arg10[%swap3A_194, %swap3A_195] {strides = array<i32>} : memref<80x128xf32, #tpu.memory_space<vmem>>, vector<16xf32>,
    tpu.vector_store %arg10[%swap3A_194, %swap3A_195], %broadcast_in_dim3A_1 {strides = array<i32>} : memref<80x128xf32, #tpu.memory_space<vmem>>, vector<16xf32>,
    %swap3A_197 = arith.constant 6 : i32
    %swap3A_198 = arith.index_cast %swap3A_197 : i32 to index
    %swap3A_199 = arith.constant 16 : index
    %swap3A_200 = tpu.vector_load %arg10[%swap3A_198, %swap3A_199] {strides = array<i32>} : memref<80x128xf32, #tpu.memory_space<vmem>>, vector<16xf32>,
    tpu.vector_store %arg10[%swap3A_198, %swap3A_199], %broadcast_in_dim3A_1 {strides = array<i32>} : memref<80x128xf32, #tpu.memory_space<vmem>>, vector<16xf32>,
    %swap3A_201 = arith.constant 6 : i32
    %swap3A_202 = arith.index_cast %swap3A_201 : i32 to index
    %swap3A_203 = arith.constant 32 : index
    %swap3A_204 = tpu.vector_load %arg10[%swap3A_202, %swap3A_203] {strides = array<i32>} : memref<80x128xf32, #tpu.memory_space<vmem>>, vector<16xf32>,
    tpu.vector_store %arg10[%swap3A_202, %swap3A_203], %broadcast_in_dim3A_1 {strides = array<i32>} : memref<80x128xf32, #tpu.memory_space<vmem>>, vector<16xf32>,
    %swap3A_205 = arith.constant 6 : i32
    %swap3A_206 = arith.index_cast %swap3A_205 : i32 to index
    %swap3A_207 = arith.constant 48 : index
    %swap3A_208 = tpu.vector_load %arg10[%swap3A_206, %swap3A_207] {strides = array<i32>} : memref<80x128xf32, #tpu.memory_space<vmem>>, vector<16xf32>,
    tpu.vector_store %arg10[%swap3A_206, %swap3A_207], %broadcast_in_dim3A_1 {strides = array<i32>} : memref<80x128xf32, #tpu.memory_space<vmem>>, vector<16xf32>,
    %swap3A_209 = arith.constant 6 : i32
    %swap3A_210 = arith.index_cast %swap3A_209 : i32 to index
    %swap3A_211 = arith.constant 64 : index
    %swap3A_212 = tpu.vector_load %arg10[%swap3A_210, %swap3A_211] {strides = array<i32>} : memref<80x128xf32, #tpu.memory_space<vmem>>, vector<16xf32>,
    tpu.vector_store %arg10[%swap3A_210, %swap3A_211], %broadcast_in_dim3A_1 {strides = array<i32>} : memref<80x128xf32, #tpu.memory_space<vmem>>, vector<16xf32>,
    %swap3A_213 = arith.constant 6 : i32
    %swap3A_214 = arith.index_cast %swap3A_213 : i32 to index
    %swap3A_215 = arith.constant 80 : index
    %swap3A_216 = tpu.vector_load %arg10[%swap3A_214, %swap3A_215] {strides = array<i32>} : memref<80x128xf32, #tpu.memory_space<vmem>>, vector<16xf32>,
    tpu.vector_store %arg10[%swap3A_214, %swap3A_215], %broadcast_in_dim3A_1 {strides = array<i32>} : memref<80x128xf32, #tpu.memory_space<vmem>>, vector<16xf32>,
    %swap3A_217 = arith.constant 6 : i32
    %swap3A_218 = arith.index_cast %swap3A_217 : i32 to index
    %swap3A_219 = arith.constant 96 : index
    %swap3A_220 = tpu.vector_load %arg10[%swap3A_218, %swap3A_219] {strides = array<i32>} : memref<80x128xf32, #tpu.memory_space<vmem>>, vector<16xf32>,
    tpu.vector_store %arg10[%swap3A_218, %swap3A_219], %broadcast_in_dim3A_1 {strides = array<i32>} : memref<80x128xf32, #tpu.memory_space<vmem>>, vector<16xf32>,
    %swap3A_221 = arith.constant 6 : i32
    %swap3A_222 = arith.index_cast %swap3A_221 : i32 to index
    %swap3A_223 = arith.constant 112 : index
    %swap3A_224 = tpu.vector_load %arg10[%swap3A_222, %swap3A_223] {strides = array<i32>} : memref<80x128xf32, #tpu.memory_space<vmem>>, vector<16xf32>,
    tpu.vector_store %arg10[%swap3A_222, %swap3A_223], %broadcast_in_dim3A_1 {strides = array<i32>} : memref<80x128xf32, #tpu.memory_space<vmem>>, vector<16xf32>,
    %swap3A_225 = arith.constant 7 : i32
    %swap3A_226 = arith.index_cast %swap3A_225 : i32 to index
    %swap3A_227 = arith.constant 0 : index
    %swap3A_228 = tpu.vector_load %arg10[%swap3A_226, %swap3A_227] {strides = array<i32>} : memref<80x128xf32, #tpu.memory_space<vmem>>, vector<16xf32>,
    tpu.vector_store %arg10[%swap3A_226, %swap3A_227], %broadcast_in_dim3A_1 {strides = array<i32>} : memref<80x128xf32, #tpu.memory_space<vmem>>, vector<16xf32>,
    %swap3A_229 = arith.constant 7 : i32
    %swap3A_230 = arith.index_cast %swap3A_229 : i32 to index
    %swap3A_231 = arith.constant 16 : index
    %swap3A_232 = tpu.vector_load %arg10[%swap3A_230, %swap3A_231] {strides = array<i32>} : memref<80x128xf32, #tpu.memory_space<vmem>>, vector<16xf32>,
    tpu.vector_store %arg10[%swap3A_230, %swap3A_231], %broadcast_in_dim3A_1 {strides = array<i32>} : memref<80x128xf32, #tpu.memory_space<vmem>>, vector<16xf32>,
    %swap3A_233 = arith.constant 7 : i32
    %swap3A_234 = arith.index_cast %swap3A_233 : i32 to index
    %swap3A_235 = arith.constant 32 : index
    %swap3A_236 = tpu.vector_load %arg10[%swap3A_234, %swap3A_235] {strides = array<i32>} : memref<80x128xf32, #tpu.memory_space<vmem>>, vector<16xf32>,
    tpu.vector_store %arg10[%swap3A_234, %swap3A_235], %broadcast_in_dim3A_1 {strides = array<i32>} : memref<80x128xf32, #tpu.memory_space<vmem>>, vector<16xf32>,
    %swap3A_237 = arith.constant 7 : i32
    %swap3A_238 = arith.index_cast %swap3A_237 : i32 to index
    %swap3A_239 = arith.constant 48 : index
    %swap3A_240 = tpu.vector_load %arg10[%swap3A_238, %swap3A_239] {strides = array<i32>} : memref<80x128xf32, #tpu.memory_space<vmem>>, vector<16xf32>,
    tpu.vector_store %arg10[%swap3A_238, %swap3A_239], %broadcast_in_dim3A_1 {strides = array<i32>} : memref<80x128xf32, #tpu.memory_space<vmem>>, vector<16xf32>,
    %swap3A_241 = arith.constant 7 : i32
    %swap3A_242 = arith.index_cast %swap3A_241 : i32 to index
    %swap3A_243 = arith.constant 64 : index
    %swap3A_244 = tpu.vector_load %arg10[%swap3A_242, %swap3A_243] {strides = array<i32>} : memref<80x128xf32, #tpu.memory_space<vmem>>, vector<16xf32>,
    tpu.vector_store %arg10[%swap3A_242, %swap3A_243], %broadcast_in_dim3A_1 {strides = array<i32>} : memref<80x128xf32, #tpu.memory_space<vmem>>, vector<16xf32>,
    %swap3A_245 = arith.constant 7 : i32
    %swap3A_246 = arith.index_cast %swap3A_245 : i32 to index
    %swap3A_247 = arith.constant 80 : index
    %swap3A_248 = tpu.vector_load %arg10[%swap3A_246, %swap3A_247] {strides = array<i32>} : memref<80x128xf32, #tpu.memory_space<vmem>>, vector<16xf32>,
    tpu.vector_store %arg10[%swap3A_246, %swap3A_247], %broadcast_in_dim3A_1 {strides = array<i32>} : memref<80x128xf32, #tpu.memory_space<vmem>>, vector<16xf32>,
    %swap3A_249 = arith.constant 7 : i32
    %swap3A_250 = arith.index_cast %swap3A_249 : i32 to index
    %swap3A_251 = arith.constant 96 : index
    %swap3A_252 = tpu.vector_load %arg10[%swap3A_250, %swap3A_251] {strides = array<i32>} : memref<80x128xf32, #tpu.memory_space<vmem>>, vector<16xf32>,
    tpu.vector_store %arg10[%swap3A_250, %swap3A_251], %broadcast_in_dim3A_1 {strides = array<i32>} : memref<80x128xf32, #tpu.memory_space<vmem>>, vector<16xf32>,
    %swap3A_253 = arith.constant 7 : i32
    %swap3A_254 = arith.index_cast %swap3A_253 : i32 to index
    %swap3A_255 = arith.constant 112 : index
    %swap3A_256 = tpu.vector_load %arg10[%swap3A_254, %swap3A_255] {strides = array<i32>} : memref<80x128xf32, #tpu.memory_space<vmem>>, vector<16xf32>,
    tpu.vector_store %arg10[%swap3A_254, %swap3A_255], %broadcast_in_dim3A_1 {strides = array<i32>} : memref<80x128xf32, #tpu.memory_space<vmem>>, vector<16xf32>,
    %swap3A_257 = arith.constant 8 : i32
    %swap3A_258 = arith.index_cast %swap3A_257 : i32 to index
    %swap3A_259 = arith.constant 0 : index
    %swap3A_260 = tpu.vector_load %arg10[%swap3A_258, %swap3A_259] {strides = array<i32>} : memref<80x128xf32, #tpu.memory_space<vmem>>, vector<16xf32>,
    tpu.vector_store %arg10[%swap3A_258, %swap3A_259], %broadcast_in_dim3A_1 {strides = array<i32>} : memref<80x128xf32, #tpu.memory_space<vmem>>, vector<16xf32>,
    %swap3A_261 = arith.constant 8 : i32
    %swap3A_262 = arith.index_cast %swap3A_261 : i32 to index
    %swap3A_263 = arith.constant 16 : index
    %swap3A_264 = tpu.vector_load %arg10[%swap3A_262, %swap3A_263] {strides = array<i32>} : memref<80x128xf32, #tpu.memory_space<vmem>>, vector<16xf32>,
    tpu.vector_store %arg10[%swap3A_262, %swap3A_263], %broadcast_in_dim3A_1 {strides = array<i32>} : memref<80x128xf32, #tpu.memory_space<vmem>>, vector<16xf32>,
    %swap3A_265 = arith.constant 8 : i32
    %swap3A_266 = arith.index_cast %swap3A_265 : i32 to index
    %swap3A_267 = arith.constant 32 : index
    %swap3A_268 = tpu.vector_load %arg10[%swap3A_266, %swap3A_267] {strides = array<i32>} : memref<80x128xf32, #tpu.memory_space<vmem>>, vector<16xf32>,
    tpu.vector_store %arg10[%swap3A_266, %swap3A_267], %broadcast_in_dim3A_1 {strides = array<i32>} : memref<80x128xf32, #tpu.memory_space<vmem>>, vector<16xf32>,
    %swap3A_269 = arith.constant 8 : i32
    %swap3A_270 = arith.index_cast %swap3A_269 : i32 to index
    %swap3A_271 = arith.constant 48 : index
    %swap3A_272 = tpu.vector_load %arg10[%swap3A_270, %swap3A_271] {strides = array<i32>} : memref<80x128xf32, #tpu.memory_space<vmem>>, vector<16xf32>,
    tpu.vector_store %arg10[%swap3A_270, %swap3A_271], %broadcast_in_dim3A_1 {strides = array<i32>} : memref<80x128xf32, #tpu.memory_space<vmem>>, vector<16xf32>,
    %swap3A_273 = arith.constant 8 : i32
    %swap3A_274 = arith.index_cast %swap3A_273 : i32 to index
    %swap3A_275 = arith.constant 64 : index
    %swap3A_276 = tpu.vector_load %arg10[%swap3A_274, %swap3A_275] {strides = array<i32>} : memref<80x128xf32, #tpu.memory_space<vmem>>, vector<16xf32>,
    tpu.vector_store %arg10[%swap3A_274, %swap3A_275], %broadcast_in_dim3A_1 {strides = array<i32>} : memref<80x128xf32, #tpu.memory_space<vmem>>, vector<16xf32>,
    %swap3A_277 = arith.constant 8 : i32
    %swap3A_278 = arith.index_cast %swap3A_277 : i32 to index
    %swap3A_279 = arith.constant 80 : index
    %swap3A_280 = tpu.vector_load %arg10[%swap3A_278, %swap3A_279] {strides = array<i32>} : memref<80x128xf32, #tpu.memory_space<vmem>>, vector<16xf32>,
    tpu.vector_store %arg10[%swap3A_278, %swap3A_279], %broadcast_in_dim3A_1 {strides = array<i32>} : memref<80x128xf32, #tpu.memory_space<vmem>>, vector<16xf32>,
    %swap3A_281 = arith.constant 8 : i32
    %swap3A_282 = arith.index_cast %swap3A_281 : i32 to index
    %swap3A_283 = arith.constant 96 : index
    %swap3A_284 = tpu.vector_load %arg10[%swap3A_282, %swap3A_283] {strides = array<i32>} : memref<80x128xf32, #tpu.memory_space<vmem>>, vector<16xf32>,
    tpu.vector_store %arg10[%swap3A_282, %swap3A_283], %broadcast_in_dim3A_1 {strides = array<i32>} : memref<80x128xf32, #tpu.memory_space<vmem>>, vector<16xf32>,
    %swap3A_285 = arith.constant 8 : i32
    %swap3A_286 = arith.index_cast %swap3A_285 : i32 to index
    %swap3A_287 = arith.constant 112 : index
    %swap3A_288 = tpu.vector_load %arg10[%swap3A_286, %swap3A_287] {strides = array<i32>} : memref<80x128xf32, #tpu.memory_space<vmem>>, vector<16xf32>,
    tpu.vector_store %arg10[%swap3A_286, %swap3A_287], %broadcast_in_dim3A_1 {strides = array<i32>} : memref<80x128xf32, #tpu.memory_space<vmem>>, vector<16xf32>,
    %swap3A_289 = arith.constant 9 : i32
    %swap3A_290 = arith.index_cast %swap3A_289 : i32 to index
    %swap3A_291 = arith.constant 0 : index
    %swap3A_292 = tpu.vector_load %arg10[%swap3A_290, %swap3A_291] {strides = array<i32>} : memref<80x128xf32, #tpu.memory_space<vmem>>, vector<16xf32>,
    tpu.vector_store %arg10[%swap3A_290, %swap3A_291], %broadcast_in_dim3A_1 {strides = array<i32>} : memref<80x128xf32, #tpu.memory_space<vmem>>, vector<16xf32>,
    %swap3A_293 = arith.constant 9 : i32
    %swap3A_294 = arith.index_cast %swap3A_293 : i32 to index
    %swap3A_295 = arith.constant 16 : index
    %swap3A_296 = tpu.vector_load %arg10[%swap3A_294, %swap3A_295] {strides = array<i32>} : memref<80x128xf32, #tpu.memory_space<vmem>>, vector<16xf32>,
    tpu.vector_store %arg10[%swap3A_294, %swap3A_295], %broadcast_in_dim3A_1 {strides = array<i32>} : memref<80x128xf32, #tpu.memory_space<vmem>>, vector<16xf32>,
    %swap3A_297 = arith.constant 9 : i32
    %swap3A_298 = arith.index_cast %swap3A_297 : i32 to index
    %swap3A_299 = arith.constant 32 : index
    %swap3A_300 = tpu.vector_load %arg10[%swap3A_298, %swap3A_299] {strides = array<i32>} : memref<80x128xf32, #tpu.memory_space<vmem>>, vector<16xf32>,
    tpu.vector_store %arg10[%swap3A_298, %swap3A_299], %broadcast_in_dim3A_1 {strides = array<i32>} : memref<80x128xf32, #tpu.memory_space<vmem>>, vector<16xf32>,
    %swap3A_301 = arith.constant 9 : i32
    %swap3A_302 = arith.index_cast %swap3A_301 : i32 to index
    %swap3A_303 = arith.constant 48 : index
    %swap3A_304 = tpu.vector_load %arg10[%swap3A_302, %swap3A_303] {strides = array<i32>} : memref<80x128xf32, #tpu.memory_space<vmem>>, vector<16xf32>,
    tpu.vector_store %arg10[%swap3A_302, %swap3A_303], %broadcast_in_dim3A_1 {strides = array<i32>} : memref<80x128xf32, #tpu.memory_space<vmem>>, vector<16xf32>,
    %swap3A_305 = arith.constant 9 : i32
    %swap3A_306 = arith.index_cast %swap3A_305 : i32 to index
    %swap3A_307 = arith.constant 64 : index
    %swap3A_308 = tpu.vector_load %arg10[%swap3A_306, %swap3A_307] {strides = array<i32>} : memref<80x128xf32, #tpu.memory_space<vmem>>, vector<16xf32>,
    tpu.vector_store %arg10[%swap3A_306, %swap3A_307], %broadcast_in_dim3A_1 {strides = array<i32>} : memref<80x128xf32, #tpu.memory_space<vmem>>, vector<16xf32>,
    %swap3A_309 = arith.constant 9 : i32
    %swap3A_310 = arith.index_cast %swap3A_309 : i32 to index
    %swap3A_311 = arith.constant 80 : index
    %swap3A_312 = tpu.vector_load %arg10[%swap3A_310, %swap3A_311] {strides = array<i32>} : memref<80x128xf32, #tpu.memory_space<vmem>>, vector<16xf32>,
    tpu.vector_store %arg10[%swap3A_310, %swap3A_311], %broadcast_in_dim3A_1 {strides = array<i32>} : memref<80x128xf32, #tpu.memory_space<vmem>>, vector<16xf32>,
    %swap3A_313 = arith.constant 9 : i32
    %swap3A_314 = arith.index_cast %swap3A_313 : i32 to index
    %swap3A_315 = arith.constant 96 : index
    %swap3A_316 = tpu.vector_load %arg10[%swap3A_314, %swap3A_315] {strides = array<i32>} : memref<80x128xf32, #tpu.memory_space<vmem>>, vector<16xf32>,
    tpu.vector_store %arg10[%swap3A_314, %swap3A_315], %broadcast_in_dim3A_1 {strides = array<i32>} : memref<80x128xf32, #tpu.memory_space<vmem>>, vector<16xf32>,
    %swap3A_317 = arith.constant 9 : i32
    %swap3A_318 = arith.index_cast %swap3A_317 : i32 to index
    %swap3A_319 = arith.constant 112 : index
    %swap3A_320 = tpu.vector_load %arg10[%swap3A_318, %swap3A_319] {strides = array<i32>} : memref<80x128xf32, #tpu.memory_space<vmem>>, vector<16xf32>,
    tpu.vector_store %arg10[%swap3A_318, %swap3A_319], %broadcast_in_dim3A_1 {strides = array<i32>} : memref<80x128xf32, #tpu.memory_space<vmem>>, vector<16xf32>,
    %swap3A_321 = arith.constant 10 : i32
    %swap3A_322 = arith.index_cast %swap3A_321 : i32 to index
    %swap3A_323 = arith.constant 0 : index
    %swap3A_324 = tpu.vector_load %arg10[%swap3A_322, %swap3A_323] {strides = array<i32>} : memref<80x128xf32, #tpu.memory_space<vmem>>, vector<16xf32>,
    tpu.vector_store %arg10[%swap3A_322, %swap3A_323], %broadcast_in_dim3A_1 {strides = array<i32>} : memref<80x128xf32, #tpu.memory_space<vmem>>, vector<16xf32>,
    %swap3A_325 = arith.constant 10 : i32
    %swap3A_326 = arith.index_cast %swap3A_325 : i32 to index
    %swap3A_327 = arith.constant 16 : index
    %swap3A_328 = tpu.vector_load %arg10[%swap3A_326, %swap3A_327] {strides = array<i32>} : memref<80x128xf32, #tpu.memory_space<vmem>>, vector<16xf32>,
    tpu.vector_store %arg10[%swap3A_326, %swap3A_327], %broadcast_in_dim3A_1 {strides = array<i32>} : memref<80x128xf32, #tpu.memory_space<vmem>>, vector<16xf32>,
    %swap3A_329 = arith.constant 10 : i32
    %swap3A_330 = arith.index_cast %swap3A_329 : i32 to index
    %swap3A_331 = arith.constant 32 : index
    %swap3A_332 = tpu.vector_load %arg10[%swap3A_330, %swap3A_331] {strides = array<i32>} : memref<80x128xf32, #tpu.memory_space<vmem>>, vector<16xf32>,
    tpu.vector_store %arg10[%swap3A_330, %swap3A_331], %broadcast_in_dim3A_1 {strides = array<i32>} : memref<80x128xf32, #tpu.memory_space<vmem>>, vector<16xf32>,
    %swap3A_333 = arith.constant 10 : i32
    %swap3A_334 = arith.index_cast %swap3A_333 : i32 to index
    %swap3A_335 = arith.constant 48 : index
    %swap3A_336 = tpu.vector_load %arg10[%swap3A_334, %swap3A_335] {strides = array<i32>} : memref<80x128xf32, #tpu.memory_space<vmem>>, vector<16xf32>,
    tpu.vector_store %arg10[%swap3A_334, %swap3A_335], %broadcast_in_dim3A_1 {strides = array<i32>} : memref<80x128xf32, #tpu.memory_space<vmem>>, vector<16xf32>,
    %swap3A_337 = arith.constant 10 : i32
    %swap3A_338 = arith.index_cast %swap3A_337 : i32 to index
    %swap3A_339 = arith.constant 64 : index
    %swap3A_340 = tpu.vector_load %arg10[%swap3A_338, %swap3A_339] {strides = array<i32>} : memref<80x128xf32, #tpu.memory_space<vmem>>, vector<16xf32>,
    tpu.vector_store %arg10[%swap3A_338, %swap3A_339], %broadcast_in_dim3A_1 {strides = array<i32>} : memref<80x128xf32, #tpu.memory_space<vmem>>, vector<16xf32>,
    %swap3A_341 = arith.constant 10 : i32
    %swap3A_342 = arith.index_cast %swap3A_341 : i32 to index
    %swap3A_343 = arith.constant 80 : index
    %swap3A_344 = tpu.vector_load %arg10[%swap3A_342, %swap3A_343] {strides = array<i32>} : memref<80x128xf32, #tpu.memory_space<vmem>>, vector<16xf32>,
    tpu.vector_store %arg10[%swap3A_342, %swap3A_343], %broadcast_in_dim3A_1 {strides = array<i32>} : memref<80x128xf32, #tpu.memory_space<vmem>>, vector<16xf32>,
    %swap3A_345 = arith.constant 10 : i32
    %swap3A_346 = arith.index_cast %swap3A_345 : i32 to index
    %swap3A_347 = arith.constant 96 : index
    %swap3A_348 = tpu.vector_load %arg10[%swap3A_346, %swap3A_347] {strides = array<i32>} : memref<80x128xf32, #tpu.memory_space<vmem>>, vector<16xf32>,
    tpu.vector_store %arg10[%swap3A_346, %swap3A_347], %broadcast_in_dim3A_1 {strides = array<i32>} : memref<80x128xf32, #tpu.memory_space<vmem>>, vector<16xf32>,
    %swap3A_349 = arith.constant 10 : i32
    %swap3A_350 = arith.index_cast %swap3A_349 : i32 to index
    %swap3A_351 = arith.constant 112 : index
    %swap3A_352 = tpu.vector_load %arg10[%swap3A_350, %swap3A_351] {strides = array<i32>} : memref<80x128xf32, #tpu.memory_space<vmem>>, vector<16xf32>,
    tpu.vector_store %arg10[%swap3A_350, %swap3A_351], %broadcast_in_dim3A_1 {strides = array<i32>} : memref<80x128xf32, #tpu.memory_space<vmem>>, vector<16xf32>,
    %swap3A_353 = arith.constant 11 : i32
    %swap3A_354 = arith.index_cast %swap3A_353 : i32 to index
    %swap3A_355 = arith.constant 0 : index
    %swap3A_356 = tpu.vector_load %arg10[%swap3A_354, %swap3A_355] {strides = array<i32>} : memref<80x128xf32, #tpu.memory_space<vmem>>, vector<16xf32>,
    tpu.vector_store %arg10[%swap3A_354, %swap3A_355], %broadcast_in_dim3A_1 {strides = array<i32>} : memref<80x128xf32, #tpu.memory_space<vmem>>, vector<16xf32>,
    %swap3A_357 = arith.constant 11 : i32
    %swap3A_358 = arith.index_cast %swap3A_357 : i32 to index
    %swap3A_359 = arith.constant 16 : index
    %swap3A_360 = tpu.vector_load %arg10[%swap3A_358, %swap3A_359] {strides = array<i32>} : memref<80x128xf32, #tpu.memory_space<vmem>>, vector<16xf32>,
    tpu.vector_store %arg10[%swap3A_358, %swap3A_359], %broadcast_in_dim3A_1 {strides = array<i32>} : memref<80x128xf32, #tpu.memory_space<vmem>>, vector<16xf32>,
    %swap3A_361 = arith.constant 11 : i32
    %swap3A_362 = arith.index_cast %swap3A_361 : i32 to index
    %swap3A_363 = arith.constant 32 : index
    %swap3A_364 = tpu.vector_load %arg10[%swap3A_362, %swap3A_363] {strides = array<i32>} : memref<80x128xf32, #tpu.memory_space<vmem>>, vector<16xf32>,
    tpu.vector_store %arg10[%swap3A_362, %swap3A_363], %broadcast_in_dim3A_1 {strides = array<i32>} : memref<80x128xf32, #tpu.memory_space<vmem>>, vector<16xf32>,
    %swap3A_365 = arith.constant 11 : i32
    %swap3A_366 = arith.index_cast %swap3A_365 : i32 to index
    %swap3A_367 = arith.constant 48 : index
    %swap3A_368 = tpu.vector_load %arg10[%swap3A_366, %swap3A_367] {strides = array<i32>} : memref<80x128xf32, #tpu.memory_space<vmem>>, vector<16xf32>,
    tpu.vector_store %arg10[%swap3A_366, %swap3A_367], %broadcast_in_dim3A_1 {strides = array<i32>} : memref<80x128xf32, #tpu.memory_space<vmem>>, vector<16xf32>,
    %swap3A_369 = arith.constant 11 : i32
    %swap3A_370 = arith.index_cast %swap3A_369 : i32 to index
    %swap3A_371 = arith.constant 64 : index
    %swap3A_372 = tpu.vector_load %arg10[%swap3A_370, %swap3A_371] {strides = array<i32>} : memref<80x128xf32, #tpu.memory_space<vmem>>, vector<16xf32>,
    tpu.vector_store %arg10[%swap3A_370, %swap3A_371], %broadcast_in_dim3A_1 {strides = array<i32>} : memref<80x128xf32, #tpu.memory_space<vmem>>, vector<16xf32>,
    %swap3A_373 = arith.constant 11 : i32
    %swap3A_374 = arith.index_cast %swap3A_373 : i32 to index
    %swap3A_375 = arith.constant 80 : index
    %swap3A_376 = tpu.vector_load %arg10[%swap3A_374, %swap3A_375] {strides = array<i32>} : memref<80x128xf32, #tpu.memory_space<vmem>>, vector<16xf32>,
    tpu.vector_store %arg10[%swap3A_374, %swap3A_375], %broadcast_in_dim3A_1 {strides = array<i32>} : memref<80x128xf32, #tpu.memory_space<vmem>>, vector<16xf32>,
    %swap3A_377 = arith.constant 11 : i32
    %swap3A_378 = arith.index_cast %swap3A_377 : i32 to index
    %swap3A_379 = arith.constant 96 : index
    %swap3A_380 = tpu.vector_load %arg10[%swap3A_378, %swap3A_379] {strides = array<i32>} : memref<80x128xf32, #tpu.memory_space<vmem>>, vector<16xf32>,
    tpu.vector_store %arg10[%swap3A_378, %swap3A_379], %broadcast_in_dim3A_1 {strides = array<i32>} : memref<80x128xf32, #tpu.memory_space<vmem>>, vector<16xf32>,
    %swap3A_381 = arith.constant 11 : i32
    %swap3A_382 = arith.index_cast %swap3A_381 : i32 to index
    %swap3A_383 = arith.constant 112 : index
    %swap3A_384 = tpu.vector_load %arg10[%swap3A_382, %swap3A_383] {strides = array<i32>} : memref<80x128xf32, #tpu.memory_space<vmem>>, vector<16xf32>,
    tpu.vector_store %arg10[%swap3A_382, %swap3A_383], %broadcast_in_dim3A_1 {strides = array<i32>} : memref<80x128xf32, #tpu.memory_space<vmem>>, vector<16xf32>,
    %swap3A_385 = arith.constant 12 : i32
    %swap3A_386 = arith.index_cast %swap3A_385 : i32 to index
    %swap3A_387 = arith.constant 0 : index
    %swap3A_388 = tpu.vector_load %arg10[%swap3A_386, %swap3A_387] {strides = array<i32>} : memref<80x128xf32, #tpu.memory_space<vmem>>, vector<16xf32>,
    tpu.vector_store %arg10[%swap3A_386, %swap3A_387], %broadcast_in_dim3A_1 {strides = array<i32>} : memref<80x128xf32, #tpu.memory_space<vmem>>, vector<16xf32>,
    %swap3A_389 = arith.constant 12 : i32
    %swap3A_390 = arith.index_cast %swap3A_389 : i32 to index
    %swap3A_391 = arith.constant 16 : index
    %swap3A_392 = tpu.vector_load %arg10[%swap3A_390, %swap3A_391] {strides = array<i32>} : memref<80x128xf32, #tpu.memory_space<vmem>>, vector<16xf32>,
    tpu.vector_store %arg10[%swap3A_390, %swap3A_391], %broadcast_in_dim3A_1 {strides = array<i32>} : memref<80x128xf32, #tpu.memory_space<vmem>>, vector<16xf32>,
    %swap3A_393 = arith.constant 12 : i32
    %swap3A_394 = arith.index_cast %swap3A_393 : i32 to index
    %swap3A_395 = arith.constant 32 : index
    %swap3A_396 = tpu.vector_load %arg10[%swap3A_394, %swap3A_395] {strides = array<i32>} : memref<80x128xf32, #tpu.memory_space<vmem>>, vector<16xf32>,
    tpu.vector_store %arg10[%swap3A_394, %swap3A_395], %broadcast_in_dim3A_1 {strides = array<i32>} : memref<80x128xf32, #tpu.memory_space<vmem>>, vector<16xf32>,
    %swap3A_397 = arith.constant 12 : i32
    %swap3A_398 = arith.index_cast %swap3A_397 : i32 to index
    %swap3A_399 = arith.constant 48 : index
    %swap3A_400 = tpu.vector_load %arg10[%swap3A_398, %swap3A_399] {strides = array<i32>} : memref<80x128xf32, #tpu.memory_space<vmem>>, vector<16xf32>,
    tpu.vector_store %arg10[%swap3A_398, %swap3A_399], %broadcast_in_dim3A_1 {strides = array<i32>} : memref<80x128xf32, #tpu.memory_space<vmem>>, vector<16xf32>,
    %swap3A_401 = arith.constant 12 : i32
    %swap3A_402 = arith.index_cast %swap3A_401 : i32 to index
    %swap3A_403 = arith.constant 64 : index
    %swap3A_404 = tpu.vector_load %arg10[%swap3A_402, %swap3A_403] {strides = array<i32>} : memref<80x128xf32, #tpu.memory_space<vmem>>, vector<16xf32>,
    tpu.vector_store %arg10[%swap3A_402, %swap3A_403], %broadcast_in_dim3A_1 {strides = array<i32>} : memref<80x128xf32, #tpu.memory_space<vmem>>, vector<16xf32>,
    %swap3A_405 = arith.constant 12 : i32
    %swap3A_406 = arith.index_cast %swap3A_405 : i32 to index
    %swap3A_407 = arith.constant 80 : index
    %swap3A_408 = tpu.vector_load %arg10[%swap3A_406, %swap3A_407] {strides = array<i32>} : memref<80x128xf32, #tpu.memory_space<vmem>>, vector<16xf32>,
    tpu.vector_store %arg10[%swap3A_406, %swap3A_407], %broadcast_in_dim3A_1 {strides = array<i32>} : memref<80x128xf32, #tpu.memory_space<vmem>>, vector<16xf32>,
    %swap3A_409 = arith.constant 12 : i32
    %swap3A_410 = arith.index_cast %swap3A_409 : i32 to index
    %swap3A_411 = arith.constant 96 : index
    %swap3A_412 = tpu.vector_load %arg10[%swap3A_410, %swap3A_411] {strides = array<i32>} : memref<80x128xf32, #tpu.memory_space<vmem>>, vector<16xf32>,
    tpu.vector_store %arg10[%swap3A_410, %swap3A_411], %broadcast_in_dim3A_1 {strides = array<i32>} : memref<80x128xf32, #tpu.memory_space<vmem>>, vector<16xf32>,
    %swap3A_413 = arith.constant 12 : i32
    %swap3A_414 = arith.index_cast %swap3A_413 : i32 to index
    %swap3A_415 = arith.constant 112 : index
    %swap3A_416 = tpu.vector_load %arg10[%swap3A_414, %swap3A_415] {strides = array<i32>} : memref<80x128xf32, #tpu.memory_space<vmem>>, vector<16xf32>,
    tpu.vector_store %arg10[%swap3A_414, %swap3A_415], %broadcast_in_dim3A_1 {strides = array<i32>} : memref<80x128xf32, #tpu.memory_space<vmem>>, vector<16xf32>,
    %swap3A_417 = arith.constant 13 : i32
    %swap3A_418 = arith.index_cast %swap3A_417 : i32 to index
    %swap3A_419 = arith.constant 0 : index
    %swap3A_420 = tpu.vector_load %arg10[%swap3A_418, %swap3A_419] {strides = array<i32>} : memref<80x128xf32, #tpu.memory_space<vmem>>, vector<16xf32>,
    tpu.vector_store %arg10[%swap3A_418, %swap3A_419], %broadcast_in_dim3A_1 {strides = array<i32>} : memref<80x128xf32, #tpu.memory_space<vmem>>, vector<16xf32>,
    %swap3A_421 = arith.constant 13 : i32
    %swap3A_422 = arith.index_cast %swap3A_421 : i32 to index
    %swap3A_423 = arith.constant 16 : index
    %swap3A_424 = tpu.vector_load %arg10[%swap3A_422, %swap3A_423] {strides = array<i32>} : memref<80x128xf32, #tpu.memory_space<vmem>>, vector<16xf32>,
    tpu.vector_store %arg10[%swap3A_422, %swap3A_423], %broadcast_in_dim3A_1 {strides = array<i32>} : memref<80x128xf32, #tpu.memory_space<vmem>>, vector<16xf32>,
    %swap3A_425 = arith.constant 13 : i32
    %swap3A_426 = arith.index_cast %swap3A_425 : i32 to index
    %swap3A_427 = arith.constant 32 : index
    %swap3A_428 = tpu.vector_load %arg10[%swap3A_426, %swap3A_427] {strides = array<i32>} : memref<80x128xf32, #tpu.memory_space<vmem>>, vector<16xf32>,
    tpu.vector_store %arg10[%swap3A_426, %swap3A_427], %broadcast_in_dim3A_1 {strides = array<i32>} : memref<80x128xf32, #tpu.memory_space<vmem>>, vector<16xf32>,
    %swap3A_429 = arith.constant 13 : i32
    %swap3A_430 = arith.index_cast %swap3A_429 : i32 to index
    %swap3A_431 = arith.constant 48 : index
    %swap3A_432 = tpu.vector_load %arg10[%swap3A_430, %swap3A_431] {strides = array<i32>} : memref<80x128xf32, #tpu.memory_space<vmem>>, vector<16xf32>,
    tpu.vector_store %arg10[%swap3A_430, %swap3A_431], %broadcast_in_dim3A_1 {strides = array<i32>} : memref<80x128xf32, #tpu.memory_space<vmem>>, vector<16xf32>,
    %swap3A_433 = arith.constant 13 : i32
    %swap3A_434 = arith.index_cast %swap3A_433 : i32 to index
    %swap3A_435 = arith.constant 64 : index
    %swap3A_436 = tpu.vector_load %arg10[%swap3A_434, %swap3A_435] {strides = array<i32>} : memref<80x128xf32, #tpu.memory_space<vmem>>, vector<16xf32>,
    tpu.vector_store %arg10[%swap3A_434, %swap3A_435], %broadcast_in_dim3A_1 {strides = array<i32>} : memref<80x128xf32, #tpu.memory_space<vmem>>, vector<16xf32>,
    %swap3A_437 = arith.constant 13 : i32
    %swap3A_438 = arith.index_cast %swap3A_437 : i32 to index
    %swap3A_439 = arith.constant 80 : index
    %swap3A_440 = tpu.vector_load %arg10[%swap3A_438, %swap3A_439] {strides = array<i32>} : memref<80x128xf32, #tpu.memory_space<vmem>>, vector<16xf32>,
    tpu.vector_store %arg10[%swap3A_438, %swap3A_439], %broadcast_in_dim3A_1 {strides = array<i32>} : memref<80x128xf32, #tpu.memory_space<vmem>>, vector<16xf32>,
    %swap3A_441 = arith.constant 13 : i32
    %swap3A_442 = arith.index_cast %swap3A_441 : i32 to index
    %swap3A_443 = arith.constant 96 : index
    %swap3A_444 = tpu.vector_load %arg10[%swap3A_442, %swap3A_443] {strides = array<i32>} : memref<80x128xf32, #tpu.memory_space<vmem>>, vector<16xf32>,
    tpu.vector_store %arg10[%swap3A_442, %swap3A_443], %broadcast_in_dim3A_1 {strides = array<i32>} : memref<80x128xf32, #tpu.memory_space<vmem>>, vector<16xf32>,
    %swap3A_445 = arith.constant 13 : i32
    %swap3A_446 = arith.index_cast %swap3A_445 : i32 to index
    %swap3A_447 = arith.constant 112 : index
    %swap3A_448 = tpu.vector_load %arg10[%swap3A_446, %swap3A_447] {strides = array<i32>} : memref<80x128xf32, #tpu.memory_space<vmem>>, vector<16xf32>,
    tpu.vector_store %arg10[%swap3A_446, %swap3A_447], %broadcast_in_dim3A_1 {strides = array<i32>} : memref<80x128xf32, #tpu.memory_space<vmem>>, vector<16xf32>,
    %swap3A_449 = arith.constant 14 : i32
    %swap3A_450 = arith.index_cast %swap3A_449 : i32 to index
    %swap3A_451 = arith.constant 0 : index
    %swap3A_452 = tpu.vector_load %arg10[%swap3A_450, %swap3A_451] {strides = array<i32>} : memref<80x128xf32, #tpu.memory_space<vmem>>, vector<16xf32>,
    tpu.vector_store %arg10[%swap3A_450, %swap3A_451], %broadcast_in_dim3A_1 {strides = array<i32>} : memref<80x128xf32, #tpu.memory_space<vmem>>, vector<16xf32>,
    %swap3A_453 = arith.constant 14 : i32
    %swap3A_454 = arith.index_cast %swap3A_453 : i32 to index
    %swap3A_455 = arith.constant 16 : index
    %swap3A_456 = tpu.vector_load %arg10[%swap3A_454, %swap3A_455] {strides = array<i32>} : memref<80x128xf32, #tpu.memory_space<vmem>>, vector<16xf32>,
    tpu.vector_store %arg10[%swap3A_454, %swap3A_455], %broadcast_in_dim3A_1 {strides = array<i32>} : memref<80x128xf32, #tpu.memory_space<vmem>>, vector<16xf32>,
    %swap3A_457 = arith.constant 14 : i32
    %swap3A_458 = arith.index_cast %swap3A_457 : i32 to index
    %swap3A_459 = arith.constant 32 : index
    %swap3A_460 = tpu.vector_load %arg10[%swap3A_458, %swap3A_459] {strides = array<i32>} : memref<80x128xf32, #tpu.memory_space<vmem>>, vector<16xf32>,
    tpu.vector_store %arg10[%swap3A_458, %swap3A_459], %broadcast_in_dim3A_1 {strides = array<i32>} : memref<80x128xf32, #tpu.memory_space<vmem>>, vector<16xf32>,
    %swap3A_461 = arith.constant 14 : i32
    %swap3A_462 = arith.index_cast %swap3A_461 : i32 to index
    %swap3A_463 = arith.constant 48 : index
    %swap3A_464 = tpu.vector_load %arg10[%swap3A_462, %swap3A_463] {strides = array<i32>} : memref<80x128xf32, #tpu.memory_space<vmem>>, vector<16xf32>,
    tpu.vector_store %arg10[%swap3A_462, %swap3A_463], %broadcast_in_dim3A_1 {strides = array<i32>} : memref<80x128xf32, #tpu.memory_space<vmem>>, vector<16xf32>,
    %swap3A_465 = arith.constant 14 : i32
    %swap3A_466 = arith.index_cast %swap3A_465 : i32 to index
    %swap3A_467 = arith.constant 64 : index
    %swap3A_468 = tpu.vector_load %arg10[%swap3A_466, %swap3A_467] {strides = array<i32>} : memref<80x128xf32, #tpu.memory_space<vmem>>, vector<16xf32>,
    tpu.vector_store %arg10[%swap3A_466, %swap3A_467], %broadcast_in_dim3A_1 {strides = array<i32>} : memref<80x128xf32, #tpu.memory_space<vmem>>, vector<16xf32>,
    %swap3A_469 = arith.constant 14 : i32
    %swap3A_470 = arith.index_cast %swap3A_469 : i32 to index
    %swap3A_471 = arith.constant 80 : index
    %swap3A_472 = tpu.vector_load %arg10[%swap3A_470, %swap3A_471] {strides = array<i32>} : memref<80x128xf32, #tpu.memory_space<vmem>>, vector<16xf32>,
    tpu.vector_store %arg10[%swap3A_470, %swap3A_471], %broadcast_in_dim3A_1 {strides = array<i32>} : memref<80x128xf32, #tpu.memory_space<vmem>>, vector<16xf32>,
    %swap3A_473 = arith.constant 14 : i32
    %swap3A_474 = arith.index_cast %swap3A_473 : i32 to index
    %swap3A_475 = arith.constant 96 : index
    %swap3A_476 = tpu.vector_load %arg10[%swap3A_474, %swap3A_475] {strides = array<i32>} : memref<80x128xf32, #tpu.memory_space<vmem>>, vector<16xf32>,
    tpu.vector_store %arg10[%swap3A_474, %swap3A_475], %broadcast_in_dim3A_1 {strides = array<i32>} : memref<80x128xf32, #tpu.memory_space<vmem>>, vector<16xf32>,
    %swap3A_477 = arith.constant 14 : i32
    %swap3A_478 = arith.index_cast %swap3A_477 : i32 to index
    %swap3A_479 = arith.constant 112 : index
    %swap3A_480 = tpu.vector_load %arg10[%swap3A_478, %swap3A_479] {strides = array<i32>} : memref<80x128xf32, #tpu.memory_space<vmem>>, vector<16xf32>,
    tpu.vector_store %arg10[%swap3A_478, %swap3A_479], %broadcast_in_dim3A_1 {strides = array<i32>} : memref<80x128xf32, #tpu.memory_space<vmem>>, vector<16xf32>,
    %swap3A_481 = arith.constant 15 : i32
    %swap3A_482 = arith.index_cast %swap3A_481 : i32 to index
    %swap3A_483 = arith.constant 0 : index
    %swap3A_484 = tpu.vector_load %arg10[%swap3A_482, %swap3A_483] {strides = array<i32>} : memref<80x128xf32, #tpu.memory_space<vmem>>, vector<16xf32>,
    tpu.vector_store %arg10[%swap3A_482, %swap3A_483], %broadcast_in_dim3A_1 {strides = array<i32>} : memref<80x128xf32, #tpu.memory_space<vmem>>, vector<16xf32>,
    %swap3A_485 = arith.constant 15 : i32
    %swap3A_486 = arith.index_cast %swap3A_485 : i32 to index
    %swap3A_487 = arith.constant 16 : index
    %swap3A_488 = tpu.vector_load %arg10[%swap3A_486, %swap3A_487] {strides = array<i32>} : memref<80x128xf32, #tpu.memory_space<vmem>>, vector<16xf32>,
    tpu.vector_store %arg10[%swap3A_486, %swap3A_487], %broadcast_in_dim3A_1 {strides = array<i32>} : memref<80x128xf32, #tpu.memory_space<vmem>>, vector<16xf32>,
    %swap3A_489 = arith.constant 15 : i32
    %swap3A_490 = arith.index_cast %swap3A_489 : i32 to index
    %swap3A_491 = arith.constant 32 : index
    %swap3A_492 = tpu.vector_load %arg10[%swap3A_490, %swap3A_491] {strides = array<i32>} : memref<80x128xf32, #tpu.memory_space<vmem>>, vector<16xf32>,
    tpu.vector_store %arg10[%swap3A_490, %swap3A_491], %broadcast_in_dim3A_1 {strides = array<i32>} : memref<80x128xf32, #tpu.memory_space<vmem>>, vector<16xf32>,
    %swap3A_493 = arith.constant 15 : i32
    %swap3A_494 = arith.index_cast %swap3A_493 : i32 to index
    %swap3A_495 = arith.constant 48 : index
    %swap3A_496 = tpu.vector_load %arg10[%swap3A_494, %swap3A_495] {strides = array<i32>} : memref<80x128xf32, #tpu.memory_space<vmem>>, vector<16xf32>,
    tpu.vector_store %arg10[%swap3A_494, %swap3A_495], %broadcast_in_dim3A_1 {strides = array<i32>} : memref<80x128xf32, #tpu.memory_space<vmem>>, vector<16xf32>,
    %swap3A_497 = arith.constant 15 : i32
    %swap3A_498 = arith.index_cast %swap3A_497 : i32 to index
    %swap3A_499 = arith.constant 64 : index
    %swap3A_500 = tpu.vector_load %arg10[%swap3A_498, %swap3A_499] {strides = array<i32>} : memref<80x128xf32, #tpu.memory_space<vmem>>, vector<16xf32>,
    tpu.vector_store %arg10[%swap3A_498, %swap3A_499], %broadcast_in_dim3A_1 {strides = array<i32>} : memref<80x128xf32, #tpu.memory_space<vmem>>, vector<16xf32>,
    %swap3A_501 = arith.constant 15 : i32
    %swap3A_502 = arith.index_cast %swap3A_501 : i32 to index
    %swap3A_503 = arith.constant 80 : index
    %swap3A_504 = tpu.vector_load %arg10[%swap3A_502, %swap3A_503] {strides = array<i32>} : memref<80x128xf32, #tpu.memory_space<vmem>>, vector<16xf32>,
    tpu.vector_store %arg10[%swap3A_502, %swap3A_503], %broadcast_in_dim3A_1 {strides = array<i32>} : memref<80x128xf32, #tpu.memory_space<vmem>>, vector<16xf32>,
    %swap3A_505 = arith.constant 15 : i32
    %swap3A_506 = arith.index_cast %swap3A_505 : i32 to index
    %swap3A_507 = arith.constant 96 : index
    %swap3A_508 = tpu.vector_load %arg10[%swap3A_506, %swap3A_507] {strides = array<i32>} : memref<80x128xf32, #tpu.memory_space<vmem>>, vector<16xf32>,
    tpu.vector_store %arg10[%swap3A_506, %swap3A_507], %broadcast_in_dim3A_1 {strides = array<i32>} : memref<80x128xf32, #tpu.memory_space<vmem>>, vector<16xf32>,
    %swap3A_509 = arith.constant 15 : i32
    %swap3A_510 = arith.index_cast %swap3A_509 : i32 to index
    %swap3A_511 = arith.constant 112 : index
    %swap3A_512 = tpu.vector_load %arg10[%swap3A_510, %swap3A_511] {strides = array<i32>} : memref<80x128xf32, #tpu.memory_space<vmem>>, vector<16xf32>,
    tpu.vector_store %arg10[%swap3A_510, %swap3A_511], %broadcast_in_dim3A_1 {strides = array<i32>} : memref<80x128xf32, #tpu.memory_space<vmem>>, vector<16xf32>,
    %swap3A_513 = arith.constant 16 : i32
    %swap3A_514 = arith.index_cast %swap3A_513 : i32 to index
    %swap3A_515 = arith.constant 0 : index
    %swap3A_516 = tpu.vector_load %arg10[%swap3A_514, %swap3A_515] {strides = array<i32>} : memref<80x128xf32, #tpu.memory_space<vmem>>, vector<16xf32>,
    tpu.vector_store %arg10[%swap3A_514, %swap3A_515], %broadcast_in_dim3A_1 {strides = array<i32>} : memref<80x128xf32, #tpu.memory_space<vmem>>, vector<16xf32>,
    %swap3A_517 = arith.constant 16 : i32
    %swap3A_518 = arith.index_cast %swap3A_517 : i32 to index
    %swap3A_519 = arith.constant 16 : index
    %swap3A_520 = tpu.vector_load %arg10[%swap3A_518, %swap3A_519] {strides = array<i32>} : memref<80x128xf32, #tpu.memory_space<vmem>>, vector<16xf32>,
    tpu.vector_store %arg10[%swap3A_518, %swap3A_519], %broadcast_in_dim3A_1 {strides = array<i32>} : memref<80x128xf32, #tpu.memory_space<vmem>>, vector<16xf32>,
    %swap3A_521 = arith.constant 16 : i32
    %swap3A_522 = arith.index_cast %swap3A_521 : i32 to index
    %swap3A_523 = arith.constant 32 : index
    %swap3A_524 = tpu.vector_load %arg10[%swap3A_522, %swap3A_523] {strides = array<i32>} : memref<80x128xf32, #tpu.memory_space<vmem>>, vector<16xf32>,
    tpu.vector_store %arg10[%swap3A_522, %swap3A_523], %broadcast_in_dim3A_1 {strides = array<i32>} : memref<80x128xf32, #tpu.memory_space<vmem>>, vector<16xf32>,
    %swap3A_525 = arith.constant 16 : i32
    %swap3A_526 = arith.index_cast %swap3A_525 : i32 to index
    %swap3A_527 = arith.constant 48 : index
    %swap3A_528 = tpu.vector_load %arg10[%swap3A_526, %swap3A_527] {strides = array<i32>} : memref<80x128xf32, #tpu.memory_space<vmem>>, vector<16xf32>,
    tpu.vector_store %arg10[%swap3A_526, %swap3A_527], %broadcast_in_dim3A_1 {strides = array<i32>} : memref<80x128xf32, #tpu.memory_space<vmem>>, vector<16xf32>,
    %swap3A_529 = arith.constant 16 : i32
    %swap3A_530 = arith.index_cast %swap3A_529 : i32 to index
    %swap3A_531 = arith.constant 64 : index
    %swap3A_532 = tpu.vector_load %arg10[%swap3A_530, %swap3A_531] {strides = array<i32>} : memref<80x128xf32, #tpu.memory_space<vmem>>, vector<16xf32>,
    tpu.vector_store %arg10[%swap3A_530, %swap3A_531], %broadcast_in_dim3A_1 {strides = array<i32>} : memref<80x128xf32, #tpu.memory_space<vmem>>, vector<16xf32>,
    %swap3A_533 = arith.constant 16 : i32
    %swap3A_534 = arith.index_cast %swap3A_533 : i32 to index
    %swap3A_535 = arith.constant 80 : index
    %swap3A_536 = tpu.vector_load %arg10[%swap3A_534, %swap3A_535] {strides = array<i32>} : memref<80x128xf32, #tpu.memory_space<vmem>>, vector<16xf32>,
    tpu.vector_store %arg10[%swap3A_534, %swap3A_535], %broadcast_in_dim3A_1 {strides = array<i32>} : memref<80x128xf32, #tpu.memory_space<vmem>>, vector<16xf32>,
    %swap3A_537 = arith.constant 16 : i32
    %swap3A_538 = arith.index_cast %swap3A_537 : i32 to index
    %swap3A_539 = arith.constant 96 : index
    %swap3A_540 = tpu.vector_load %arg10[%swap3A_538, %swap3A_539] {strides = array<i32>} : memref<80x128xf32, #tpu.memory_space<vmem>>, vector<16xf32>,
    tpu.vector_store %arg10[%swap3A_538, %swap3A_539], %broadcast_in_dim3A_1 {strides = array<i32>} : memref<80x128xf32, #tpu.memory_space<vmem>>, vector<16xf32>,
    %swap3A_541 = arith.constant 16 : i32
    %swap3A_542 = arith.index_cast %swap3A_541 : i32 to index
    %swap3A_543 = arith.constant 112 : index
    %swap3A_544 = tpu.vector_load %arg10[%swap3A_542, %swap3A_543] {strides = array<i32>} : memref<80x128xf32, #tpu.memory_space<vmem>>, vector<16xf32>,
    tpu.vector_store %arg10[%swap3A_542, %swap3A_543], %broadcast_in_dim3A_1 {strides = array<i32>} : memref<80x128xf32, #tpu.memory_space<vmem>>, vector<16xf32>,
    %swap3A_545 = arith.constant 17 : i32
    %swap3A_546 = arith.index_cast %swap3A_545 : i32 to index
    %swap3A_547 = arith.constant 0 : index
    %swap3A_548 = tpu.vector_load %arg10[%swap3A_546, %swap3A_547] {strides = array<i32>} : memref<80x128xf32, #tpu.memory_space<vmem>>, vector<16xf32>,
    tpu.vector_store %arg10[%swap3A_546, %swap3A_547], %broadcast_in_dim3A_1 {strides = array<i32>} : memref<80x128xf32, #tpu.memory_space<vmem>>, vector<16xf32>,
    %swap3A_549 = arith.constant 17 : i32
    %swap3A_550 = arith.index_cast %swap3A_549 : i32 to index
    %swap3A_551 = arith.constant 16 : index
    %swap3A_552 = tpu.vector_load %arg10[%swap3A_550, %swap3A_551] {strides = array<i32>} : memref<80x128xf32, #tpu.memory_space<vmem>>, vector<16xf32>,
    tpu.vector_store %arg10[%swap3A_550, %swap3A_551], %broadcast_in_dim3A_1 {strides = array<i32>} : memref<80x128xf32, #tpu.memory_space<vmem>>, vector<16xf32>,
    %swap3A_553 = arith.constant 17 : i32
    %swap3A_554 = arith.index_cast %swap3A_553 : i32 to index
    %swap3A_555 = arith.constant 32 : index
    %swap3A_556 = tpu.vector_load %arg10[%swap3A_554, %swap3A_555] {strides = array<i32>} : memref<80x128xf32, #tpu.memory_space<vmem>>, vector<16xf32>,
    tpu.vector_store %arg10[%swap3A_554, %swap3A_555], %broadcast_in_dim3A_1 {strides = array<i32>} : memref<80x128xf32, #tpu.memory_space<vmem>>, vector<16xf32>,
    %swap3A_557 = arith.constant 17 : i32
    %swap3A_558 = arith.index_cast %swap3A_557 : i32 to index
    %swap3A_559 = arith.constant 48 : index
    %swap3A_560 = tpu.vector_load %arg10[%swap3A_558, %swap3A_559] {strides = array<i32>} : memref<80x128xf32, #tpu.memory_space<vmem>>, vector<16xf32>,
    tpu.vector_store %arg10[%swap3A_558, %swap3A_559], %broadcast_in_dim3A_1 {strides = array<i32>} : memref<80x128xf32, #tpu.memory_space<vmem>>, vector<16xf32>,
    %swap3A_561 = arith.constant 17 : i32
    %swap3A_562 = arith.index_cast %swap3A_561 : i32 to index
    %swap3A_563 = arith.constant 64 : index
    %swap3A_564 = tpu.vector_load %arg10[%swap3A_562, %swap3A_563] {strides = array<i32>} : memref<80x128xf32, #tpu.memory_space<vmem>>, vector<16xf32>,
    tpu.vector_store %arg10[%swap3A_562, %swap3A_563], %broadcast_in_dim3A_1 {strides = array<i32>} : memref<80x128xf32, #tpu.memory_space<vmem>>, vector<16xf32>,
    %swap3A_565 = arith.constant 17 : i32
    %swap3A_566 = arith.index_cast %swap3A_565 : i32 to index
    %swap3A_567 = arith.constant 80 : index
    %swap3A_568 = tpu.vector_load %arg10[%swap3A_566, %swap3A_567] {strides = array<i32>} : memref<80x128xf32, #tpu.memory_space<vmem>>, vector<16xf32>,
    tpu.vector_store %arg10[%swap3A_566, %swap3A_567], %broadcast_in_dim3A_1 {strides = array<i32>} : memref<80x128xf32, #tpu.memory_space<vmem>>, vector<16xf32>,
    %swap3A_569 = arith.constant 17 : i32
    %swap3A_570 = arith.index_cast %swap3A_569 : i32 to index
    %swap3A_571 = arith.constant 96 : index
    %swap3A_572 = tpu.vector_load %arg10[%swap3A_570, %swap3A_571] {strides = array<i32>} : memref<80x128xf32, #tpu.memory_space<vmem>>, vector<16xf32>,
    tpu.vector_store %arg10[%swap3A_570, %swap3A_571], %broadcast_in_dim3A_1 {strides = array<i32>} : memref<80x128xf32, #tpu.memory_space<vmem>>, vector<16xf32>,
    %swap3A_573 = arith.constant 17 : i32
    %swap3A_574 = arith.index_cast %swap3A_573 : i32 to index
    %swap3A_575 = arith.constant 112 : index
    %swap3A_576 = tpu.vector_load %arg10[%swap3A_574, %swap3A_575] {strides = array<i32>} : memref<80x128xf32, #tpu.memory_space<vmem>>, vector<16xf32>,
    tpu.vector_store %arg10[%swap3A_574, %swap3A_575], %broadcast_in_dim3A_1 {strides = array<i32>} : memref<80x128xf32, #tpu.memory_space<vmem>>, vector<16xf32>,
    %swap3A_577 = arith.constant 18 : i32
    %swap3A_578 = arith.index_cast %swap3A_577 : i32 to index
    %swap3A_579 = arith.constant 0 : index
    %swap3A_580 = tpu.vector_load %arg10[%swap3A_578, %swap3A_579] {strides = array<i32>} : memref<80x128xf32, #tpu.memory_space<vmem>>, vector<16xf32>,
    tpu.vector_store %arg10[%swap3A_578, %swap3A_579], %broadcast_in_dim3A_1 {strides = array<i32>} : memref<80x128xf32, #tpu.memory_space<vmem>>, vector<16xf32>,
    %swap3A_581 = arith.constant 18 : i32
    %swap3A_582 = arith.index_cast %swap3A_581 : i32 to index
    %swap3A_583 = arith.constant 16 : index
    %swap3A_584 = tpu.vector_load %arg10[%swap3A_582, %swap3A_583] {strides = array<i32>} : memref<80x128xf32, #tpu.memory_space<vmem>>, vector<16xf32>,
    tpu.vector_store %arg10[%swap3A_582, %swap3A_583], %broadcast_in_dim3A_1 {strides = array<i32>} : memref<80x128xf32, #tpu.memory_space<vmem>>, vector<16xf32>,
    %swap3A_585 = arith.constant 18 : i32
    %swap3A_586 = arith.index_cast %swap3A_585 : i32 to index
    %swap3A_587 = arith.constant 32 : index
    %swap3A_588 = tpu.vector_load %arg10[%swap3A_586, %swap3A_587] {strides = array<i32>} : memref<80x128xf32, #tpu.memory_space<vmem>>, vector<16xf32>,
    tpu.vector_store %arg10[%swap3A_586, %swap3A_587], %broadcast_in_dim3A_1 {strides = array<i32>} : memref<80x128xf32, #tpu.memory_space<vmem>>, vector<16xf32>,
    %swap3A_589 = arith.constant 18 : i32
    %swap3A_590 = arith.index_cast %swap3A_589 : i32 to index
    %swap3A_591 = arith.constant 48 : index
    %swap3A_592 = tpu.vector_load %arg10[%swap3A_590, %swap3A_591] {strides = array<i32>} : memref<80x128xf32, #tpu.memory_space<vmem>>, vector<16xf32>,
    tpu.vector_store %arg10[%swap3A_590, %swap3A_591], %broadcast_in_dim3A_1 {strides = array<i32>} : memref<80x128xf32, #tpu.memory_space<vmem>>, vector<16xf32>,
    %swap3A_593 = arith.constant 18 : i32
    %swap3A_594 = arith.index_cast %swap3A_593 : i32 to index
    %swap3A_595 = arith.constant 64 : index
    %swap3A_596 = tpu.vector_load %arg10[%swap3A_594, %swap3A_595] {strides = array<i32>} : memref<80x128xf32, #tpu.memory_space<vmem>>, vector<16xf32>,
    tpu.vector_store %arg10[%swap3A_594, %swap3A_595], %broadcast_in_dim3A_1 {strides = array<i32>} : memref<80x128xf32, #tpu.memory_space<vmem>>, vector<16xf32>,
    %swap3A_597 = arith.constant 18 : i32
    %swap3A_598 = arith.index_cast %swap3A_597 : i32 to index
    %swap3A_599 = arith.constant 80 : index
    %swap3A_600 = tpu.vector_load %arg10[%swap3A_598, %swap3A_599] {strides = array<i32>} : memref<80x128xf32, #tpu.memory_space<vmem>>, vector<16xf32>,
    tpu.vector_store %arg10[%swap3A_598, %swap3A_599], %broadcast_in_dim3A_1 {strides = array<i32>} : memref<80x128xf32, #tpu.memory_space<vmem>>, vector<16xf32>,
    %swap3A_601 = arith.constant 18 : i32
    %swap3A_602 = arith.index_cast %swap3A_601 : i32 to index
    %swap3A_603 = arith.constant 96 : index
    %swap3A_604 = tpu.vector_load %arg10[%swap3A_602, %swap3A_603] {strides = array<i32>} : memref<80x128xf32, #tpu.memory_space<vmem>>, vector<16xf32>,
    tpu.vector_store %arg10[%swap3A_602, %swap3A_603], %broadcast_in_dim3A_1 {strides = array<i32>} : memref<80x128xf32, #tpu.memory_space<vmem>>, vector<16xf32>,
    %swap3A_605 = arith.constant 18 : i32
    %swap3A_606 = arith.index_cast %swap3A_605 : i32 to index
    %swap3A_607 = arith.constant 112 : index
    %swap3A_608 = tpu.vector_load %arg10[%swap3A_606, %swap3A_607] {strides = array<i32>} : memref<80x128xf32, #tpu.memory_space<vmem>>, vector<16xf32>,
    tpu.vector_store %arg10[%swap3A_606, %swap3A_607], %broadcast_in_dim3A_1 {strides = array<i32>} : memref<80x128xf32, #tpu.memory_space<vmem>>, vector<16xf32>,
    %swap3A_609 = arith.constant 19 : i32
    %swap3A_610 = arith.index_cast %swap3A_609 : i32 to index
    %swap3A_611 = arith.constant 0 : index
    %swap3A_612 = tpu.vector_load %arg10[%swap3A_610, %swap3A_611] {strides = array<i32>} : memref<80x128xf32, #tpu.memory_space<vmem>>, vector<16xf32>,
    tpu.vector_store %arg10[%swap3A_610, %swap3A_611], %broadcast_in_dim3A_1 {strides = array<i32>} : memref<80x128xf32, #tpu.memory_space<vmem>>, vector<16xf32>,
    %swap3A_613 = arith.constant 19 : i32
    %swap3A_614 = arith.index_cast %swap3A_613 : i32 to index
    %swap3A_615 = arith.constant 16 : index
    %swap3A_616 = tpu.vector_load %arg10[%swap3A_614, %swap3A_615] {strides = array<i32>} : memref<80x128xf32, #tpu.memory_space<vmem>>, vector<16xf32>,
    tpu.vector_store %arg10[%swap3A_614, %swap3A_615], %broadcast_in_dim3A_1 {strides = array<i32>} : memref<80x128xf32, #tpu.memory_space<vmem>>, vector<16xf32>,
    %swap3A_617 = arith.constant 19 : i32
    %swap3A_618 = arith.index_cast %swap3A_617 : i32 to index
    %swap3A_619 = arith.constant 32 : index
    %swap3A_620 = tpu.vector_load %arg10[%swap3A_618, %swap3A_619] {strides = array<i32>} : memref<80x128xf32, #tpu.memory_space<vmem>>, vector<16xf32>,
    tpu.vector_store %arg10[%swap3A_618, %swap3A_619], %broadcast_in_dim3A_1 {strides = array<i32>} : memref<80x128xf32, #tpu.memory_space<vmem>>, vector<16xf32>,
    %swap3A_621 = arith.constant 19 : i32
    %swap3A_622 = arith.index_cast %swap3A_621 : i32 to index
    %swap3A_623 = arith.constant 48 : index
    %swap3A_624 = tpu.vector_load %arg10[%swap3A_622, %swap3A_623] {strides = array<i32>} : memref<80x128xf32, #tpu.memory_space<vmem>>, vector<16xf32>,
    tpu.vector_store %arg10[%swap3A_622, %swap3A_623], %broadcast_in_dim3A_1 {strides = array<i32>} : memref<80x128xf32, #tpu.memory_space<vmem>>, vector<16xf32>,
    %swap3A_625 = arith.constant 19 : i32
    %swap3A_626 = arith.index_cast %swap3A_625 : i32 to index
    %swap3A_627 = arith.constant 64 : index
    %swap3A_628 = tpu.vector_load %arg10[%swap3A_626, %swap3A_627] {strides = array<i32>} : memref<80x128xf32, #tpu.memory_space<vmem>>, vector<16xf32>,
    tpu.vector_store %arg10[%swap3A_626, %swap3A_627], %broadcast_in_dim3A_1 {strides = array<i32>} : memref<80x128xf32, #tpu.memory_space<vmem>>, vector<16xf32>,
    %swap3A_629 = arith.constant 19 : i32
    %swap3A_630 = arith.index_cast %swap3A_629 : i32 to index
    %swap3A_631 = arith.constant 80 : index
    %swap3A_632 = tpu.vector_load %arg10[%swap3A_630, %swap3A_631] {strides = array<i32>} : memref<80x128xf32, #tpu.memory_space<vmem>>, vector<16xf32>,
    tpu.vector_store %arg10[%swap3A_630, %swap3A_631], %broadcast_in_dim3A_1 {strides = array<i32>} : memref<80x128xf32, #tpu.memory_space<vmem>>, vector<16xf32>,
    %swap3A_633 = arith.constant 19 : i32
    %swap3A_634 = arith.index_cast %swap3A_633 : i32 to index
    %swap3A_635 = arith.constant 96 : index
    %swap3A_636 = tpu.vector_load %arg10[%swap3A_634, %swap3A_635] {strides = array<i32>} : memref<80x128xf32, #tpu.memory_space<vmem>>, vector<16xf32>,
    tpu.vector_store %arg10[%swap3A_634, %swap3A_635], %broadcast_in_dim3A_1 {strides = array<i32>} : memref<80x128xf32, #tpu.memory_space<vmem>>, vector<16xf32>,
    %swap3A_637 = arith.constant 19 : i32
    %swap3A_638 = arith.index_cast %swap3A_637 : i32 to index
    %swap3A_639 = arith.constant 112 : index
    %swap3A_640 = tpu.vector_load %arg10[%swap3A_638, %swap3A_639] {strides = array<i32>} : memref<80x128xf32, #tpu.memory_space<vmem>>, vector<16xf32>,
    tpu.vector_store %arg10[%swap3A_638, %swap3A_639], %broadcast_in_dim3A_1 {strides = array<i32>} : memref<80x128xf32, #tpu.memory_space<vmem>>, vector<16xf32>,
    %swap3A_641 = arith.constant 20 : i32
    %swap3A_642 = arith.index_cast %swap3A_641 : i32 to index
    %swap3A_643 = arith.constant 0 : index
    %swap3A_644 = tpu.vector_load %arg10[%swap3A_642, %swap3A_643] {strides = array<i32>} : memref<80x128xf32, #tpu.memory_space<vmem>>, vector<16xf32>,
    tpu.vector_store %arg10[%swap3A_642, %swap3A_643], %broadcast_in_dim3A_1 {strides = array<i32>} : memref<80x128xf32, #tpu.memory_space<vmem>>, vector<16xf32>,
    %swap3A_645 = arith.constant 20 : i32
    %swap3A_646 = arith.index_cast %swap3A_645 : i32 to index
    %swap3A_647 = arith.constant 16 : index
    %swap3A_648 = tpu.vector_load %arg10[%swap3A_646, %swap3A_647] {strides = array<i32>} : memref<80x128xf32, #tpu.memory_space<vmem>>, vector<16xf32>,
    tpu.vector_store %arg10[%swap3A_646, %swap3A_647], %broadcast_in_dim3A_1 {strides = array<i32>} : memref<80x128xf32, #tpu.memory_space<vmem>>, vector<16xf32>,
    %swap3A_649 = arith.constant 20 : i32
    %swap3A_650 = arith.index_cast %swap3A_649 : i32 to index
    %swap3A_651 = arith.constant 32 : index
    %swap3A_652 = tpu.vector_load %arg10[%swap3A_650, %swap3A_651] {strides = array<i32>} : memref<80x128xf32, #tpu.memory_space<vmem>>, vector<16xf32>,
    tpu.vector_store %arg10[%swap3A_650, %swap3A_651], %broadcast_in_dim3A_1 {strides = array<i32>} : memref<80x128xf32, #tpu.memory_space<vmem>>, vector<16xf32>,
    %swap3A_653 = arith.constant 20 : i32
    %swap3A_654 = arith.index_cast %swap3A_653 : i32 to index
    %swap3A_655 = arith.constant 48 : index
    %swap3A_656 = tpu.vector_load %arg10[%swap3A_654, %swap3A_655] {strides = array<i32>} : memref<80x128xf32, #tpu.memory_space<vmem>>, vector<16xf32>,
    tpu.vector_store %arg10[%swap3A_654, %swap3A_655], %broadcast_in_dim3A_1 {strides = array<i32>} : memref<80x128xf32, #tpu.memory_space<vmem>>, vector<16xf32>,
    %swap3A_657 = arith.constant 20 : i32
    %swap3A_658 = arith.index_cast %swap3A_657 : i32 to index
    %swap3A_659 = arith.constant 64 : index
    %swap3A_660 = tpu.vector_load %arg10[%swap3A_658, %swap3A_659] {strides = array<i32>} : memref<80x128xf32, #tpu.memory_space<vmem>>, vector<16xf32>,
    tpu.vector_store %arg10[%swap3A_658, %swap3A_659], %broadcast_in_dim3A_1 {strides = array<i32>} : memref<80x128xf32, #tpu.memory_space<vmem>>, vector<16xf32>,
    %swap3A_661 = arith.constant 20 : i32
    %swap3A_662 = arith.index_cast %swap3A_661 : i32 to index
    %swap3A_663 = arith.constant 80 : index
    %swap3A_664 = tpu.vector_load %arg10[%swap3A_662, %swap3A_663] {strides = array<i32>} : memref<80x128xf32, #tpu.memory_space<vmem>>, vector<16xf32>,
    tpu.vector_store %arg10[%swap3A_662, %swap3A_663], %broadcast_in_dim3A_1 {strides = array<i32>} : memref<80x128xf32, #tpu.memory_space<vmem>>, vector<16xf32>,
    %swap3A_665 = arith.constant 20 : i32
    %swap3A_666 = arith.index_cast %swap3A_665 : i32 to index
    %swap3A_667 = arith.constant 96 : index
    %swap3A_668 = tpu.vector_load %arg10[%swap3A_666, %swap3A_667] {strides = array<i32>} : memref<80x128xf32, #tpu.memory_space<vmem>>, vector<16xf32>,
    tpu.vector_store %arg10[%swap3A_666, %swap3A_667], %broadcast_in_dim3A_1 {strides = array<i32>} : memref<80x128xf32, #tpu.memory_space<vmem>>, vector<16xf32>,
    %swap3A_669 = arith.constant 20 : i32
    %swap3A_670 = arith.index_cast %swap3A_669 : i32 to index
    %swap3A_671 = arith.constant 112 : index
    %swap3A_672 = tpu.vector_load %arg10[%swap3A_670, %swap3A_671] {strides = array<i32>} : memref<80x128xf32, #tpu.memory_space<vmem>>, vector<16xf32>,
    tpu.vector_store %arg10[%swap3A_670, %swap3A_671], %broadcast_in_dim3A_1 {strides = array<i32>} : memref<80x128xf32, #tpu.memory_space<vmem>>, vector<16xf32>,
    %swap3A_673 = arith.constant 21 : i32
    %swap3A_674 = arith.index_cast %swap3A_673 : i32 to index
    %swap3A_675 = arith.constant 0 : index
    %swap3A_676 = tpu.vector_load %arg10[%swap3A_674, %swap3A_675] {strides = array<i32>} : memref<80x128xf32, #tpu.memory_space<vmem>>, vector<16xf32>,
    tpu.vector_store %arg10[%swap3A_674, %swap3A_675], %broadcast_in_dim3A_1 {strides = array<i32>} : memref<80x128xf32, #tpu.memory_space<vmem>>, vector<16xf32>,
    %swap3A_677 = arith.constant 21 : i32
    %swap3A_678 = arith.index_cast %swap3A_677 : i32 to index
    %swap3A_679 = arith.constant 16 : index
    %swap3A_680 = tpu.vector_load %arg10[%swap3A_678, %swap3A_679] {strides = array<i32>} : memref<80x128xf32, #tpu.memory_space<vmem>>, vector<16xf32>,
    tpu.vector_store %arg10[%swap3A_678, %swap3A_679], %broadcast_in_dim3A_1 {strides = array<i32>} : memref<80x128xf32, #tpu.memory_space<vmem>>, vector<16xf32>,
    %swap3A_681 = arith.constant 21 : i32
    %swap3A_682 = arith.index_cast %swap3A_681 : i32 to index
    %swap3A_683 = arith.constant 32 : index
    %swap3A_684 = tpu.vector_load %arg10[%swap3A_682, %swap3A_683] {strides = array<i32>} : memref<80x128xf32, #tpu.memory_space<vmem>>, vector<16xf32>,
    tpu.vector_store %arg10[%swap3A_682, %swap3A_683], %broadcast_in_dim3A_1 {strides = array<i32>} : memref<80x128xf32, #tpu.memory_space<vmem>>, vector<16xf32>,
    %swap3A_685 = arith.constant 21 : i32
    %swap3A_686 = arith.index_cast %swap3A_685 : i32 to index
    %swap3A_687 = arith.constant 48 : index
    %swap3A_688 = tpu.vector_load %arg10[%swap3A_686, %swap3A_687] {strides = array<i32>} : memref<80x128xf32, #tpu.memory_space<vmem>>, vector<16xf32>,
    tpu.vector_store %arg10[%swap3A_686, %swap3A_687], %broadcast_in_dim3A_1 {strides = array<i32>} : memref<80x128xf32, #tpu.memory_space<vmem>>, vector<16xf32>,
    %swap3A_689 = arith.constant 21 : i32
    %swap3A_690 = arith.index_cast %swap3A_689 : i32 to index
    %swap3A_691 = arith.constant 64 : index
    %swap3A_692 = tpu.vector_load %arg10[%swap3A_690, %swap3A_691] {strides = array<i32>} : memref<80x128xf32, #tpu.memory_space<vmem>>, vector<16xf32>,
    tpu.vector_store %arg10[%swap3A_690, %swap3A_691], %broadcast_in_dim3A_1 {strides = array<i32>} : memref<80x128xf32, #tpu.memory_space<vmem>>, vector<16xf32>,
    %swap3A_693 = arith.constant 21 : i32
    %swap3A_694 = arith.index_cast %swap3A_693 : i32 to index
    %swap3A_695 = arith.constant 80 : index
    %swap3A_696 = tpu.vector_load %arg10[%swap3A_694, %swap3A_695] {strides = array<i32>} : memref<80x128xf32, #tpu.memory_space<vmem>>, vector<16xf32>,
    tpu.vector_store %arg10[%swap3A_694, %swap3A_695], %broadcast_in_dim3A_1 {strides = array<i32>} : memref<80x128xf32, #tpu.memory_space<vmem>>, vector<16xf32>,
    %swap3A_697 = arith.constant 21 : i32
    %swap3A_698 = arith.index_cast %swap3A_697 : i32 to index
    %swap3A_699 = arith.constant 96 : index
    %swap3A_700 = tpu.vector_load %arg10[%swap3A_698, %swap3A_699] {strides = array<i32>} : memref<80x128xf32, #tpu.memory_space<vmem>>, vector<16xf32>,
    tpu.vector_store %arg10[%swap3A_698, %swap3A_699], %broadcast_in_dim3A_1 {strides = array<i32>} : memref<80x128xf32, #tpu.memory_space<vmem>>, vector<16xf32>,
    %swap3A_701 = arith.constant 21 : i32
    %swap3A_702 = arith.index_cast %swap3A_701 : i32 to index
    %swap3A_703 = arith.constant 112 : index
    %swap3A_704 = tpu.vector_load %arg10[%swap3A_702, %swap3A_703] {strides = array<i32>} : memref<80x128xf32, #tpu.memory_space<vmem>>, vector<16xf32>,
    tpu.vector_store %arg10[%swap3A_702, %swap3A_703], %broadcast_in_dim3A_1 {strides = array<i32>} : memref<80x128xf32, #tpu.memory_space<vmem>>, vector<16xf32>,
    %swap3A_705 = arith.constant 22 : i32
    %swap3A_706 = arith.index_cast %swap3A_705 : i32 to index
    %swap3A_707 = arith.constant 0 : index
    %swap3A_708 = tpu.vector_load %arg10[%swap3A_706, %swap3A_707] {strides = array<i32>} : memref<80x128xf32, #tpu.memory_space<vmem>>, vector<16xf32>,
    tpu.vector_store %arg10[%swap3A_706, %swap3A_707], %broadcast_in_dim3A_1 {strides = array<i32>} : memref<80x128xf32, #tpu.memory_space<vmem>>, vector<16xf32>,
    %swap3A_709 = arith.constant 22 : i32
    %swap3A_710 = arith.index_cast %swap3A_709 : i32 to index
    %swap3A_711 = arith.constant 16 : index
    %swap3A_712 = tpu.vector_load %arg10[%swap3A_710, %swap3A_711] {strides = array<i32>} : memref<80x128xf32, #tpu.memory_space<vmem>>, vector<16xf32>,
    tpu.vector_store %arg10[%swap3A_710, %swap3A_711], %broadcast_in_dim3A_1 {strides = array<i32>} : memref<80x128xf32, #tpu.memory_space<vmem>>, vector<16xf32>,
    %swap3A_713 = arith.constant 22 : i32
    %swap3A_714 = arith.index_cast %swap3A_713 : i32 to index
    %swap3A_715 = arith.constant 32 : index
    %swap3A_716 = tpu.vector_load %arg10[%swap3A_714, %swap3A_715] {strides = array<i32>} : memref<80x128xf32, #tpu.memory_space<vmem>>, vector<16xf32>,
    tpu.vector_store %arg10[%swap3A_714, %swap3A_715], %broadcast_in_dim3A_1 {strides = array<i32>} : memref<80x128xf32, #tpu.memory_space<vmem>>, vector<16xf32>,
    %swap3A_717 = arith.constant 22 : i32
    %swap3A_718 = arith.index_cast %swap3A_717 : i32 to index
    %swap3A_719 = arith.constant 48 : index
    %swap3A_720 = tpu.vector_load %arg10[%swap3A_718, %swap3A_719] {strides = array<i32>} : memref<80x128xf32, #tpu.memory_space<vmem>>, vector<16xf32>,
    tpu.vector_store %arg10[%swap3A_718, %swap3A_719], %broadcast_in_dim3A_1 {strides = array<i32>} : memref<80x128xf32, #tpu.memory_space<vmem>>, vector<16xf32>,
    %swap3A_721 = arith.constant 22 : i32
    %swap3A_722 = arith.index_cast %swap3A_721 : i32 to index
    %swap3A_723 = arith.constant 64 : index
    %swap3A_724 = tpu.vector_load %arg10[%swap3A_722, %swap3A_723] {strides = array<i32>} : memref<80x128xf32, #tpu.memory_space<vmem>>, vector<16xf32>,
    tpu.vector_store %arg10[%swap3A_722, %swap3A_723], %broadcast_in_dim3A_1 {strides = array<i32>} : memref<80x128xf32, #tpu.memory_space<vmem>>, vector<16xf32>,
    %swap3A_725 = arith.constant 22 : i32
    %swap3A_726 = arith.index_cast %swap3A_725 : i32 to index
    %swap3A_727 = arith.constant 80 : index
    %swap3A_728 = tpu.vector_load %arg10[%swap3A_726, %swap3A_727] {strides = array<i32>} : memref<80x128xf32, #tpu.memory_space<vmem>>, vector<16xf32>,
    tpu.vector_store %arg10[%swap3A_726, %swap3A_727], %broadcast_in_dim3A_1 {strides = array<i32>} : memref<80x128xf32, #tpu.memory_space<vmem>>, vector<16xf32>,
    %swap3A_729 = arith.constant 22 : i32
    %swap3A_730 = arith.index_cast %swap3A_729 : i32 to index
    %swap3A_731 = arith.constant 96 : index
    %swap3A_732 = tpu.vector_load %arg10[%swap3A_730, %swap3A_731] {strides = array<i32>} : memref<80x128xf32, #tpu.memory_space<vmem>>, vector<16xf32>,
    tpu.vector_store %arg10[%swap3A_730, %swap3A_731], %broadcast_in_dim3A_1 {strides = array<i32>} : memref<80x128xf32, #tpu.memory_space<vmem>>, vector<16xf32>,
    %swap3A_733 = arith.constant 22 : i32
    %swap3A_734 = arith.index_cast %swap3A_733 : i32 to index
    %swap3A_735 = arith.constant 112 : index
    %swap3A_736 = tpu.vector_load %arg10[%swap3A_734, %swap3A_735] {strides = array<i32>} : memref<80x128xf32, #tpu.memory_space<vmem>>, vector<16xf32>,
    tpu.vector_store %arg10[%swap3A_734, %swap3A_735], %broadcast_in_dim3A_1 {strides = array<i32>} : memref<80x128xf32, #tpu.memory_space<vmem>>, vector<16xf32>,
    %swap3A_737 = arith.constant 23 : i32
    %swap3A_738 = arith.index_cast %swap3A_737 : i32 to index
    %swap3A_739 = arith.constant 0 : index
    %swap3A_740 = tpu.vector_load %arg10[%swap3A_738, %swap3A_739] {strides = array<i32>} : memref<80x128xf32, #tpu.memory_space<vmem>>, vector<16xf32>,
    tpu.vector_store %arg10[%swap3A_738, %swap3A_739], %broadcast_in_dim3A_1 {strides = array<i32>} : memref<80x128xf32, #tpu.memory_space<vmem>>, vector<16xf32>,
    %swap3A_741 = arith.constant 23 : i32
    %swap3A_742 = arith.index_cast %swap3A_741 : i32 to index
    %swap3A_743 = arith.constant 16 : index
    %swap3A_744 = tpu.vector_load %arg10[%swap3A_742, %swap3A_743] {strides = array<i32>} : memref<80x128xf32, #tpu.memory_space<vmem>>, vector<16xf32>,
    tpu.vector_store %arg10[%swap3A_742, %swap3A_743], %broadcast_in_dim3A_1 {strides = array<i32>} : memref<80x128xf32, #tpu.memory_space<vmem>>, vector<16xf32>,
    %swap3A_745 = arith.constant 23 : i32
    %swap3A_746 = arith.index_cast %swap3A_745 : i32 to index
    %swap3A_747 = arith.constant 32 : index
    %swap3A_748 = tpu.vector_load %arg10[%swap3A_746, %swap3A_747] {strides = array<i32>} : memref<80x128xf32, #tpu.memory_space<vmem>>, vector<16xf32>,
    tpu.vector_store %arg10[%swap3A_746, %swap3A_747], %broadcast_in_dim3A_1 {strides = array<i32>} : memref<80x128xf32, #tpu.memory_space<vmem>>, vector<16xf32>,
    %swap3A_749 = arith.constant 23 : i32
    %swap3A_750 = arith.index_cast %swap3A_749 : i32 to index
    %swap3A_751 = arith.constant 48 : index
    %swap3A_752 = tpu.vector_load %arg10[%swap3A_750, %swap3A_751] {strides = array<i32>} : memref<80x128xf32, #tpu.memory_space<vmem>>, vector<16xf32>,
    tpu.vector_store %arg10[%swap3A_750, %swap3A_751], %broadcast_in_dim3A_1 {strides = array<i32>} : memref<80x128xf32, #tpu.memory_space<vmem>>, vector<16xf32>,
    %swap3A_753 = arith.constant 23 : i32
    %swap3A_754 = arith.index_cast %swap3A_753 : i32 to index
    %swap3A_755 = arith.constant 64 : index
    %swap3A_756 = tpu.vector_load %arg10[%swap3A_754, %swap3A_755] {strides = array<i32>} : memref<80x128xf32, #tpu.memory_space<vmem>>, vector<16xf32>,
    tpu.vector_store %arg10[%swap3A_754, %swap3A_755], %broadcast_in_dim3A_1 {strides = array<i32>} : memref<80x128xf32, #tpu.memory_space<vmem>>, vector<16xf32>,
    %swap3A_757 = arith.constant 23 : i32
    %swap3A_758 = arith.index_cast %swap3A_757 : i32 to index
    %swap3A_759 = arith.constant 80 : index
    %swap3A_760 = tpu.vector_load %arg10[%swap3A_758, %swap3A_759] {strides = array<i32>} : memref<80x128xf32, #tpu.memory_space<vmem>>, vector<16xf32>,
    tpu.vector_store %arg10[%swap3A_758, %swap3A_759], %broadcast_in_dim3A_1 {strides = array<i32>} : memref<80x128xf32, #tpu.memory_space<vmem>>, vector<16xf32>,
    %swap3A_761 = arith.constant 23 : i32
    %swap3A_762 = arith.index_cast %swap3A_761 : i32 to index
    %swap3A_763 = arith.constant 96 : index
    %swap3A_764 = tpu.vector_load %arg10[%swap3A_762, %swap3A_763] {strides = array<i32>} : memref<80x128xf32, #tpu.memory_space<vmem>>, vector<16xf32>,
    tpu.vector_store %arg10[%swap3A_762, %swap3A_763], %broadcast_in_dim3A_1 {strides = array<i32>} : memref<80x128xf32, #tpu.memory_space<vmem>>, vector<16xf32>,
    %swap3A_765 = arith.constant 23 : i32
    %swap3A_766 = arith.index_cast %swap3A_765 : i32 to index
    %swap3A_767 = arith.constant 112 : index
    %swap3A_768 = tpu.vector_load %arg10[%swap3A_766, %swap3A_767] {strides = array<i32>} : memref<80x128xf32, #tpu.memory_space<vmem>>, vector<16xf32>,
    tpu.vector_store %arg10[%swap3A_766, %swap3A_767], %broadcast_in_dim3A_1 {strides = array<i32>} : memref<80x128xf32, #tpu.memory_space<vmem>>, vector<16xf32>,
    %swap3A_769 = arith.constant 24 : i32
    %swap3A_770 = arith.index_cast %swap3A_769 : i32 to index
    %swap3A_771 = arith.constant 0 : index
    %swap3A_772 = tpu.vector_load %arg10[%swap3A_770, %swap3A_771] {strides = array<i32>} : memref<80x128xf32, #tpu.memory_space<vmem>>, vector<16xf32>,
    tpu.vector_store %arg10[%swap3A_770, %swap3A_771], %broadcast_in_dim3A_1 {strides = array<i32>} : memref<80x128xf32, #tpu.memory_space<vmem>>, vector<16xf32>,
    %swap3A_773 = arith.constant 24 : i32
    %swap3A_774 = arith.index_cast %swap3A_773 : i32 to index
    %swap3A_775 = arith.constant 16 : index
    %swap3A_776 = tpu.vector_load %arg10[%swap3A_774, %swap3A_775] {strides = array<i32>} : memref<80x128xf32, #tpu.memory_space<vmem>>, vector<16xf32>,
    tpu.vector_store %arg10[%swap3A_774, %swap3A_775], %broadcast_in_dim3A_1 {strides = array<i32>} : memref<80x128xf32, #tpu.memory_space<vmem>>, vector<16xf32>,
    %swap3A_777 = arith.constant 24 : i32
    %swap3A_778 = arith.index_cast %swap3A_777 : i32 to index
    %swap3A_779 = arith.constant 32 : index
    %swap3A_780 = tpu.vector_load %arg10[%swap3A_778, %swap3A_779] {strides = array<i32>} : memref<80x128xf32, #tpu.memory_space<vmem>>, vector<16xf32>,
    tpu.vector_store %arg10[%swap3A_778, %swap3A_779], %broadcast_in_dim3A_1 {strides = array<i32>} : memref<80x128xf32, #tpu.memory_space<vmem>>, vector<16xf32>,
    %swap3A_781 = arith.constant 24 : i32
    %swap3A_782 = arith.index_cast %swap3A_781 : i32 to index
    %swap3A_783 = arith.constant 48 : index
    %swap3A_784 = tpu.vector_load %arg10[%swap3A_782, %swap3A_783] {strides = array<i32>} : memref<80x128xf32, #tpu.memory_space<vmem>>, vector<16xf32>,
    tpu.vector_store %arg10[%swap3A_782, %swap3A_783], %broadcast_in_dim3A_1 {strides = array<i32>} : memref<80x128xf32, #tpu.memory_space<vmem>>, vector<16xf32>,
    %swap3A_785 = arith.constant 24 : i32
    %swap3A_786 = arith.index_cast %swap3A_785 : i32 to index
    %swap3A_787 = arith.constant 64 : index
    %swap3A_788 = tpu.vector_load %arg10[%swap3A_786, %swap3A_787] {strides = array<i32>} : memref<80x128xf32, #tpu.memory_space<vmem>>, vector<16xf32>,
    tpu.vector_store %arg10[%swap3A_786, %swap3A_787], %broadcast_in_dim3A_1 {strides = array<i32>} : memref<80x128xf32, #tpu.memory_space<vmem>>, vector<16xf32>,
    %swap3A_789 = arith.constant 24 : i32
    %swap3A_790 = arith.index_cast %swap3A_789 : i32 to index
    %swap3A_791 = arith.constant 80 : index
    %swap3A_792 = tpu.vector_load %arg10[%swap3A_790, %swap3A_791] {strides = array<i32>} : memref<80x128xf32, #tpu.memory_space<vmem>>, vector<16xf32>,
    tpu.vector_store %arg10[%swap3A_790, %swap3A_791], %broadcast_in_dim3A_1 {strides = array<i32>} : memref<80x128xf32, #tpu.memory_space<vmem>>, vector<16xf32>,
    %swap3A_793 = arith.constant 24 : i32
    %swap3A_794 = arith.index_cast %swap3A_793 : i32 to index
    %swap3A_795 = arith.constant 96 : index
    %swap3A_796 = tpu.vector_load %arg10[%swap3A_794, %swap3A_795] {strides = array<i32>} : memref<80x128xf32, #tpu.memory_space<vmem>>, vector<16xf32>,
    tpu.vector_store %arg10[%swap3A_794, %swap3A_795], %broadcast_in_dim3A_1 {strides = array<i32>} : memref<80x128xf32, #tpu.memory_space<vmem>>, vector<16xf32>,
    %swap3A_797 = arith.constant 24 : i32
    %swap3A_798 = arith.index_cast %swap3A_797 : i32 to index
    %swap3A_799 = arith.constant 112 : index
    %swap3A_800 = tpu.vector_load %arg10[%swap3A_798, %swap3A_799] {strides = array<i32>} : memref<80x128xf32, #tpu.memory_space<vmem>>, vector<16xf32>,
    tpu.vector_store %arg10[%swap3A_798, %swap3A_799], %broadcast_in_dim3A_1 {strides = array<i32>} : memref<80x128xf32, #tpu.memory_space<vmem>>, vector<16xf32>,
    %mul3A_801 = arith.constant 125 : i32
    %mul3A_802 = arith.muli %add3A, %mul3A_801 : i32
    "tpu.region"() ({
      %run_scoped3A = tpu.sem_alloc : memref<!tpu.dma_semaphore, #tpu.memory_space<semaphore_mem>>
      %dma_start3A_885 = arith.constant 0 : i32
      %dma_start3A_886 = tpu.memref_slice %arg3[%mul3A_802, %dma_start3A_885] : memref<4000x80xi32, #tpu.memory_space<hbm>> -> memref<125x80xi32, #tpu.memory_space<hbm>>
      %dma_start3A_887 = arith.constant 0 : i32
      %dma_start3A_888 = tpu.memref_slice %arg3[%mul3A_802, %dma_start3A_887] : memref<4000x80xi32, #tpu.memory_space<hbm>> -> memref<125x80xi32, #tpu.memory_space<hbm>>
      tpu.enqueue_dma source(%dma_start3A_888 : memref<125x80xi32, #tpu.memory_space<hbm>>) target(%arg8 : memref<125x80xi32, #tpu.memory_space<vmem>>) target_semaphore(%run_scoped3A : memref<!tpu.dma_semaphore, #tpu.memory_space<semaphore_mem>>)
      %dma_wait3A_889 = arith.constant 0 : i32
      %dma_wait3A_890 = tpu.memref_slice %arg3[%mul3A_802, %dma_wait3A_889] : memref<4000x80xi32, #tpu.memory_space<hbm>> -> memref<125x80xi32, #tpu.memory_space<hbm>>
      %dma_wait3A_891 = arith.constant 0 : i32
      %dma_wait3A_892 = tpu.memref_slice %arg3[%mul3A_802, %dma_wait3A_891] : memref<4000x80xi32, #tpu.memory_space<hbm>> -> memref<125x80xi32, #tpu.memory_space<hbm>>
      tpu.wait_dma2 semaphore(%run_scoped3A : memref<!tpu.dma_semaphore, #tpu.memory_space<semaphore_mem>>) src(%dma_wait3A_892 : memref<125x80xi32, #tpu.memory_space<hbm>>) dst(%arg8 : memref<125x80xi32, #tpu.memory_space<vmem>>)
      tpu.yield
    }) : () -> ()
    %mul3A_803 = arith.constant 125 : i32
    %mul3A_804 = arith.muli %add3A, %mul3A_803 : i32
    "tpu.region"() ({
      %run_scoped3A = tpu.sem_alloc : memref<!tpu.dma_semaphore, #tpu.memory_space<semaphore_mem>>
      %dma_start3A_885 = arith.constant 0 : i32
      %dma_start3A_886 = tpu.memref_slice %arg4[%mul3A_804, %dma_start3A_885] : memref<4000x80xi32, #tpu.memory_space<hbm>> -> memref<125x80xi32, #tpu.memory_space<hbm>>
      %dma_start3A_887 = arith.constant 0 : i32
      %dma_start3A_888 = tpu.memref_slice %arg4[%mul3A_804, %dma_start3A_887] : memref<4000x80xi32, #tpu.memory_space<hbm>> -> memref<125x80xi32, #tpu.memory_space<hbm>>
      tpu.enqueue_dma source(%dma_start3A_888 : memref<125x80xi32, #tpu.memory_space<hbm>>) target(%arg9 : memref<125x80xi32, #tpu.memory_space<vmem>>) target_semaphore(%run_scoped3A : memref<!tpu.dma_semaphore, #tpu.memory_space<semaphore_mem>>)
      %dma_wait3A_889 = arith.constant 0 : i32
      %dma_wait3A_890 = tpu.memref_slice %arg4[%mul3A_804, %dma_wait3A_889] : memref<4000x80xi32, #tpu.memory_space<hbm>> -> memref<125x80xi32, #tpu.memory_space<hbm>>
      %dma_wait3A_891 = arith.constant 0 : i32
      %dma_wait3A_892 = tpu.memref_slice %arg4[%mul3A_804, %dma_wait3A_891] : memref<4000x80xi32, #tpu.memory_space<hbm>> -> memref<125x80xi32, #tpu.memory_space<hbm>>
      tpu.wait_dma2 semaphore(%run_scoped3A : memref<!tpu.dma_semaphore, #tpu.memory_space<semaphore_mem>>) src(%dma_wait3A_892 : memref<125x80xi32, #tpu.memory_space<hbm>>) dst(%arg9 : memref<125x80xi32, #tpu.memory_space<vmem>>)
      tpu.yield
    }) : () -> ()
    %scan3A = arith.constant 0 : i32
    %scan3A_805 = arith.constant 0 : i32
    %scan3A_806 = arith.constant 25 : i32
    %scan3A_807 = arith.addi %scan3A_805, %scan3A_806 : i32
    %scan3A_808 = arith.constant 1 : i32
    scf.for %scan3A_885 = %scan3A_805 to %scan3A_807 step %scan3A_808  : i32 {
      %mul3A_886 = arith.constant 625 : i32
      %mul3A_887 = arith.muli %arg1, %mul3A_886 : i32
      %mul3A_888 = arith.constant 25 : i32
      %mul3A_889 = arith.muli %scan3A_885, %mul3A_888 : i32
      %add3A_890 = arith.addi %mul3A_887, %mul3A_889 : i32
      "tpu.region"() ({
        %run_scoped3A = tpu.sem_alloc : memref<!tpu.dma_semaphore, #tpu.memory_space<semaphore_mem>>
        %dma_start3A_891 = arith.constant 0 : i32
        %dma_start3A_892 = arith.constant 0 : i32
        %dma_start3A_893 = tpu.memref_slice %arg10[%dma_start3A_891, %dma_start3A_892] : memref<80x128xf32, #tpu.memory_space<vmem>> -> memref<25x128xf32, #tpu.memory_space<vmem>>
        %dma_start3A_894 = arith.constant 0 : i32
        %dma_start3A_895 = tpu.memref_slice %arg7[%add3A_890, %dma_start3A_894] : memref<10000x128xf32, #tpu.memory_space<vmem_shared>> -> memref<25x128xf32, #tpu.memory_space<vmem_shared>>
        %dma_start3A_896 = arith.constant 0 : i32
        %dma_start3A_897 = tpu.memref_slice %arg7[%add3A_890, %dma_start3A_896] : memref<10000x128xf32, #tpu.memory_space<vmem_shared>> -> memref<25x128xf32, #tpu.memory_space<vmem_shared>>
        %dma_start3A_898 = arith.constant 0 : i32
        %dma_start3A_899 = arith.constant 0 : i32
        %dma_start3A_900 = tpu.memref_slice %arg10[%dma_start3A_898, %dma_start3A_899] : memref<80x128xf32, #tpu.memory_space<vmem>> -> memref<25x128xf32, #tpu.memory_space<vmem>>
        tpu.enqueue_dma source(%dma_start3A_900 : memref<25x128xf32, #tpu.memory_space<vmem>>) target(%dma_start3A_897 : memref<25x128xf32, #tpu.memory_space<vmem_shared>>) target_semaphore(%run_scoped3A : memref<!tpu.dma_semaphore, #tpu.memory_space<semaphore_mem>>)
        %dma_wait3A_901 = arith.constant 0 : i32
        %dma_wait3A_902 = arith.constant 0 : i32
        %dma_wait3A_903 = tpu.memref_slice %arg10[%dma_wait3A_901, %dma_wait3A_902] : memref<80x128xf32, #tpu.memory_space<vmem>> -> memref<25x128xf32, #tpu.memory_space<vmem>>
        %dma_wait3A_904 = arith.constant 0 : i32
        %dma_wait3A_905 = tpu.memref_slice %arg7[%add3A_890, %dma_wait3A_904] : memref<10000x128xf32, #tpu.memory_space<vmem_shared>> -> memref<25x128xf32, #tpu.memory_space<vmem_shared>>
        %dma_wait3A_906 = arith.constant 0 : i32
        %dma_wait3A_907 = tpu.memref_slice %arg7[%add3A_890, %dma_wait3A_906] : memref<10000x128xf32, #tpu.memory_space<vmem_shared>> -> memref<25x128xf32, #tpu.memory_space<vmem_shared>>
        %dma_wait3A_908 = arith.constant 0 : i32
        %dma_wait3A_909 = arith.constant 0 : i32
        %dma_wait3A_910 = tpu.memref_slice %arg10[%dma_wait3A_908, %dma_wait3A_909] : memref<80x128xf32, #tpu.memory_space<vmem>> -> memref<25x128xf32, #tpu.memory_space<vmem>>
        tpu.wait_dma2 semaphore(%run_scoped3A : memref<!tpu.dma_semaphore, #tpu.memory_space<semaphore_mem>>) src(%dma_wait3A_910 : memref<25x128xf32, #tpu.memory_space<vmem>>) dst(%dma_wait3A_907 : memref<25x128xf32, #tpu.memory_space<vmem_shared>>)
        tpu.yield
      }) : () -> ()
    }
    %scan3A_809 = arith.constant 25 : i32
    %scan3A_810 = arith.constant 0 : i32
    %scan3A_811 = arith.constant 0 : i32
    %scan3A_812 = arith.constant 625 : i32
    %scan3A_813 = arith.addi %scan3A_811, %scan3A_812 : i32
    %scan3A_814 = arith.constant 1 : i32
    scf.for %scan3A_885 = %scan3A_811 to %scan3A_813 step %scan3A_814  : i32 {
      %mul3A_886 = arith.constant 16 : i32
      %mul3A_887 = arith.muli %scan3A_885, %mul3A_886 : i32
      %swap3A_888 = arith.index_cast %mul3A_887 : i32 to index
      %swap3A_889 = tpu.vector_load %arg12[%swap3A_888] {strides = array<i32>} : memref<10000xf32, #tpu.memory_space<vmem>>, vector<16xf32>,
      tpu.vector_store %arg12[%swap3A_888], %broadcast_in_dim3A_1 {strides = array<i32>} : memref<10000xf32, #tpu.memory_space<vmem>>, vector<16xf32>,
    }
    %scan3A_815 = arith.constant 625 : i32
    %barrier3A = arith.constant 0 : index
    tpu.barrier barrier_id(%barrier3A)
    %broadcast_in_dim3A_816 = arith.constant 1.000000e+00 : f32
    %broadcast_in_dim3A_817 = vector.broadcast %broadcast_in_dim3A_816 : f32 to vector<16xf32>
    %dma_start3A = arith.constant 0 : i32
    %dma_start3A_818 = arith.constant 0 : i32
    %dma_start3A_819 = tpu.memref_slice %arg8[%dma_start3A, %dma_start3A_818] : memref<125x80xi32, #tpu.memory_space<vmem>> -> memref<1x80xi32, #tpu.memory_space<vmem>>
    %dma_start3A_820 = tpu.memref_squeeze %dma_start3A_819 : memref<1x80xi32, #tpu.memory_space<vmem>> -> memref<80xi32, #tpu.memory_space<vmem>>
    %dma_start3A_821 = arith.constant 0 : i32
    %dma_start3A_822 = arith.constant 0 : i32
    %dma_start3A_823 = tpu.memref_slice %arg2[%dma_start3A_821, %dma_start3A_822] : memref<10000x128xf32, #tpu.memory_space<hbm>> -> memref<10000x128xf32, #tpu.memory_space<hbm>>
    tpu.enqueue_indirect_dma source(%dma_start3A_823 : memref<10000x128xf32, #tpu.memory_space<hbm>>) target(%arg10 : memref<80x128xf32, #tpu.memory_space<vmem>>) offsets(%dma_start3A_820 : memref<80xi32, #tpu.memory_space<vmem>>) semaphore(%arg13 : memref<!tpu.dma_semaphore, #tpu.memory_space<semaphore_mem>>)
    %dma_start3A_824 = arith.constant 1 : i32
    %dma_start3A_825 = arith.constant 0 : i32
    %dma_start3A_826 = tpu.memref_slice %arg8[%dma_start3A_824, %dma_start3A_825] : memref<125x80xi32, #tpu.memory_space<vmem>> -> memref<1x80xi32, #tpu.memory_space<vmem>>
    %dma_start3A_827 = tpu.memref_squeeze %dma_start3A_826 : memref<1x80xi32, #tpu.memory_space<vmem>> -> memref<80xi32, #tpu.memory_space<vmem>>
    %dma_start3A_828 = arith.constant 0 : i32
    %dma_start3A_829 = arith.constant 0 : i32
    %dma_start3A_830 = tpu.memref_slice %arg2[%dma_start3A_828, %dma_start3A_829] : memref<10000x128xf32, #tpu.memory_space<hbm>> -> memref<10000x128xf32, #tpu.memory_space<hbm>>
    tpu.enqueue_indirect_dma source(%dma_start3A_830 : memref<10000x128xf32, #tpu.memory_space<hbm>>) target(%arg11 : memref<80x128xf32, #tpu.memory_space<vmem>>) offsets(%dma_start3A_827 : memref<80xi32, #tpu.memory_space<vmem>>) semaphore(%arg14 : memref<!tpu.dma_semaphore, #tpu.memory_space<semaphore_mem>>)
    %scan3A_831 = arith.constant 0 : i32
    %scan3A_832 = arith.constant 0 : i32
    %scan3A_833 = arith.constant 62 : i32
    %scan3A_834 = arith.addi %scan3A_832, %scan3A_833 : i32
    %scan3A_835 = arith.constant 1 : i32
    scf.for %scan3A_885 = %scan3A_832 to %scan3A_834 step %scan3A_835  : i32 {
      %dma_wait3A_886 = arith.constant 0 : i32
      %dma_wait3A_887 = arith.constant 0 : i32
      %dma_wait3A_888 = tpu.memref_slice %arg2[%dma_wait3A_886, %dma_wait3A_887] : memref<10000x128xf32, #tpu.memory_space<hbm>> -> memref<80x128xf32, #tpu.memory_space<hbm>>
      %dma_wait3A_889 = arith.constant 0 : i32
      %dma_wait3A_890 = arith.constant 0 : i32
      %dma_wait3A_891 = tpu.memref_slice %arg2[%dma_wait3A_889, %dma_wait3A_890] : memref<10000x128xf32, #tpu.memory_space<hbm>> -> memref<80x128xf32, #tpu.memory_space<hbm>>
      tpu.wait_dma2 semaphore(%arg13 : memref<!tpu.dma_semaphore, #tpu.memory_space<semaphore_mem>>) src(%dma_wait3A_891 : memref<80x128xf32, #tpu.memory_space<hbm>>) dst(%arg10 : memref<80x128xf32, #tpu.memory_space<vmem>>)
      %mul3A_892 = arith.constant 2 : i32
      %mul3A_893 = arith.muli %mul3A_892, %scan3A_885 : i32
      %dma_start3A_894 = arith.constant 0 : i32
      %dma_start3A_895 = tpu.memref_slice %arg9[%mul3A_893, %dma_start3A_894] : memref<125x80xi32, #tpu.memory_space<vmem>> -> memref<1x80xi32, #tpu.memory_space<vmem>>
      %dma_start3A_896 = tpu.memref_squeeze %dma_start3A_895 : memref<1x80xi32, #tpu.memory_space<vmem>> -> memref<80xi32, #tpu.memory_space<vmem>>
      %dma_start3A_897 = arith.constant 0 : i32
      %dma_start3A_898 = arith.constant 0 : i32
      %dma_start3A_899 = tpu.memref_slice %arg7[%dma_start3A_897, %dma_start3A_898] : memref<10000x128xf32, #tpu.memory_space<vmem_shared>> -> memref<10000x128xf32, #tpu.memory_space<vmem_shared>>
      tpu.enqueue_indirect_dma source(%arg10 : memref<80x128xf32, #tpu.memory_space<vmem>>) target(%dma_start3A_899 : memref<10000x128xf32, #tpu.memory_space<vmem_shared>>) offsets(%dma_start3A_896 : memref<80xi32, #tpu.memory_space<vmem>>) semaphore(%arg15 : memref<!tpu.dma_semaphore, #tpu.memory_space<semaphore_mem>>) {add = true}
      %mul3A_900 = arith.constant 2 : i32
      %mul3A_901 = arith.muli %mul3A_900, %scan3A_885 : i32
      %get3A_902 = arith.index_cast %mul3A_901 : i32 to index
      %get3A_903 = arith.constant 0 : index
      %get3A_904 = tpu.vector_load %arg9[%get3A_902, %get3A_903] {strides = array<i32>} : memref<125x80xi32, #tpu.memory_space<vmem>>, vector<16xi32>,
      tpu.vector_store_idx %arg12[%get3A_904], %broadcast_in_dim3A_817 {add = true} : memref<10000xf32, #tpu.memory_space<vmem>>[vector<16xi32>], vector<16xf32>,
      %get3A_905 = arith.index_cast %mul3A_901 : i32 to index
      %get3A_906 = arith.constant 16 : index
      %get3A_907 = tpu.vector_load %arg9[%get3A_905, %get3A_906] {strides = array<i32>} : memref<125x80xi32, #tpu.memory_space<vmem>>, vector<16xi32>,
      tpu.vector_store_idx %arg12[%get3A_907], %broadcast_in_dim3A_817 {add = true} : memref<10000xf32, #tpu.memory_space<vmem>>[vector<16xi32>], vector<16xf32>,
      %get3A_908 = arith.index_cast %mul3A_901 : i32 to index
      %get3A_909 = arith.constant 32 : index
      %get3A_910 = tpu.vector_load %arg9[%get3A_908, %get3A_909] {strides = array<i32>} : memref<125x80xi32, #tpu.memory_space<vmem>>, vector<16xi32>,
      tpu.vector_store_idx %arg12[%get3A_910], %broadcast_in_dim3A_817 {add = true} : memref<10000xf32, #tpu.memory_space<vmem>>[vector<16xi32>], vector<16xf32>,
      %get3A_911 = arith.index_cast %mul3A_901 : i32 to index
      %get3A_912 = arith.constant 48 : index
      %get3A_913 = tpu.vector_load %arg9[%get3A_911, %get3A_912] {strides = array<i32>} : memref<125x80xi32, #tpu.memory_space<vmem>>, vector<16xi32>,
      tpu.vector_store_idx %arg12[%get3A_913], %broadcast_in_dim3A_817 {add = true} : memref<10000xf32, #tpu.memory_space<vmem>>[vector<16xi32>], vector<16xf32>,
      %get3A_914 = arith.index_cast %mul3A_901 : i32 to index
      %get3A_915 = arith.constant 64 : index
      %get3A_916 = tpu.vector_load %arg9[%get3A_914, %get3A_915] {strides = array<i32>} : memref<125x80xi32, #tpu.memory_space<vmem>>, vector<16xi32>,
      tpu.vector_store_idx %arg12[%get3A_916], %broadcast_in_dim3A_817 {add = true} : memref<10000xf32, #tpu.memory_space<vmem>>[vector<16xi32>], vector<16xf32>,
      %dma_wait3A_917 = arith.constant 0 : i32
      %dma_wait3A_918 = arith.constant 0 : i32
      %dma_wait3A_919 = tpu.memref_slice %arg2[%dma_wait3A_917, %dma_wait3A_918] : memref<10000x128xf32, #tpu.memory_space<hbm>> -> memref<80x128xf32, #tpu.memory_space<hbm>>
      %dma_wait3A_920 = arith.constant 0 : i32
      %dma_wait3A_921 = arith.constant 0 : i32
      %dma_wait3A_922 = tpu.memref_slice %arg2[%dma_wait3A_920, %dma_wait3A_921] : memref<10000x128xf32, #tpu.memory_space<hbm>> -> memref<80x128xf32, #tpu.memory_space<hbm>>
      tpu.wait_dma2 semaphore(%arg14 : memref<!tpu.dma_semaphore, #tpu.memory_space<semaphore_mem>>) src(%dma_wait3A_922 : memref<80x128xf32, #tpu.memory_space<hbm>>) dst(%arg11 : memref<80x128xf32, #tpu.memory_space<vmem>>)
      %mul3A_923 = arith.constant 2 : i32
      %mul3A_924 = arith.muli %mul3A_923, %scan3A_885 : i32
      %add3A_925 = arith.constant 1 : i32
      %add3A_926 = arith.addi %mul3A_924, %add3A_925 : i32
      %dma_start3A_927 = arith.constant 0 : i32
      %dma_start3A_928 = tpu.memref_slice %arg9[%add3A_926, %dma_start3A_927] : memref<125x80xi32, #tpu.memory_space<vmem>> -> memref<1x80xi32, #tpu.memory_space<vmem>>
      %dma_start3A_929 = tpu.memref_squeeze %dma_start3A_928 : memref<1x80xi32, #tpu.memory_space<vmem>> -> memref<80xi32, #tpu.memory_space<vmem>>
      %dma_start3A_930 = arith.constant 0 : i32
      %dma_start3A_931 = arith.constant 0 : i32
      %dma_start3A_932 = tpu.memref_slice %arg7[%dma_start3A_930, %dma_start3A_931] : memref<10000x128xf32, #tpu.memory_space<vmem_shared>> -> memref<10000x128xf32, #tpu.memory_space<vmem_shared>>
      tpu.enqueue_indirect_dma source(%arg11 : memref<80x128xf32, #tpu.memory_space<vmem>>) target(%dma_start3A_932 : memref<10000x128xf32, #tpu.memory_space<vmem_shared>>) offsets(%dma_start3A_929 : memref<80xi32, #tpu.memory_space<vmem>>) semaphore(%arg16 : memref<!tpu.dma_semaphore, #tpu.memory_space<semaphore_mem>>) {add = true}
      %dma_wait3A_933 = arith.constant 0 : i32
      %dma_wait3A_934 = arith.constant 0 : i32
      %dma_wait3A_935 = tpu.memref_slice %arg2[%dma_wait3A_933, %dma_wait3A_934] : memref<10000x128xf32, #tpu.memory_space<hbm>> -> memref<80x128xf32, #tpu.memory_space<hbm>>
      %dma_wait3A_936 = arith.constant 0 : i32
      %dma_wait3A_937 = arith.constant 0 : i32
      %dma_wait3A_938 = tpu.memref_slice %arg2[%dma_wait3A_936, %dma_wait3A_937] : memref<10000x128xf32, #tpu.memory_space<hbm>> -> memref<80x128xf32, #tpu.memory_space<hbm>>
      tpu.wait_dma2 semaphore(%arg15 : memref<!tpu.dma_semaphore, #tpu.memory_space<semaphore_mem>>) src(%dma_wait3A_938 : memref<80x128xf32, #tpu.memory_space<hbm>>) dst(%arg10 : memref<80x128xf32, #tpu.memory_space<vmem>>)
      %mul3A_939 = arith.constant 2 : i32
      %mul3A_940 = arith.muli %mul3A_939, %scan3A_885 : i32
      %add3A_941 = arith.constant 2 : i32
      %add3A_942 = arith.addi %mul3A_940, %add3A_941 : i32
      %min3A = arith.constant 124 : i32
      %min3A_943 = arith.minsi %add3A_942, %min3A : i32
      %dma_start3A_944 = arith.constant 0 : i32
      %dma_start3A_945 = tpu.memref_slice %arg8[%min3A_943, %dma_start3A_944] : memref<125x80xi32, #tpu.memory_space<vmem>> -> memref<1x80xi32, #tpu.memory_space<vmem>>
      %dma_start3A_946 = tpu.memref_squeeze %dma_start3A_945 : memref<1x80xi32, #tpu.memory_space<vmem>> -> memref<80xi32, #tpu.memory_space<vmem>>
      %dma_start3A_947 = arith.constant 0 : i32
      %dma_start3A_948 = arith.constant 0 : i32
      %dma_start3A_949 = tpu.memref_slice %arg2[%dma_start3A_947, %dma_start3A_948] : memref<10000x128xf32, #tpu.memory_space<hbm>> -> memref<10000x128xf32, #tpu.memory_space<hbm>>
      tpu.enqueue_indirect_dma source(%dma_start3A_949 : memref<10000x128xf32, #tpu.memory_space<hbm>>) target(%arg10 : memref<80x128xf32, #tpu.memory_space<vmem>>) offsets(%dma_start3A_946 : memref<80xi32, #tpu.memory_space<vmem>>) semaphore(%arg13 : memref<!tpu.dma_semaphore, #tpu.memory_space<semaphore_mem>>)
      %mul3A_950 = arith.constant 2 : i32
      %mul3A_951 = arith.muli %mul3A_950, %scan3A_885 : i32
      %add3A_952 = arith.constant 1 : i32
      %add3A_953 = arith.addi %mul3A_951, %add3A_952 : i32
      %get3A_954 = arith.index_cast %add3A_953 : i32 to index
      %get3A_955 = arith.constant 0 : index
      %get3A_956 = tpu.vector_load %arg9[%get3A_954, %get3A_955] {strides = array<i32>} : memref<125x80xi32, #tpu.memory_space<vmem>>, vector<16xi32>,
      tpu.vector_store_idx %arg12[%get3A_956], %broadcast_in_dim3A_817 {add = true} : memref<10000xf32, #tpu.memory_space<vmem>>[vector<16xi32>], vector<16xf32>,
      %get3A_957 = arith.index_cast %add3A_953 : i32 to index
      %get3A_958 = arith.constant 16 : index
      %get3A_959 = tpu.vector_load %arg9[%get3A_957, %get3A_958] {strides = array<i32>} : memref<125x80xi32, #tpu.memory_space<vmem>>, vector<16xi32>,
      tpu.vector_store_idx %arg12[%get3A_959], %broadcast_in_dim3A_817 {add = true} : memref<10000xf32, #tpu.memory_space<vmem>>[vector<16xi32>], vector<16xf32>,
      %get3A_960 = arith.index_cast %add3A_953 : i32 to index
      %get3A_961 = arith.constant 32 : index
      %get3A_962 = tpu.vector_load %arg9[%get3A_960, %get3A_961] {strides = array<i32>} : memref<125x80xi32, #tpu.memory_space<vmem>>, vector<16xi32>,
      tpu.vector_store_idx %arg12[%get3A_962], %broadcast_in_dim3A_817 {add = true} : memref<10000xf32, #tpu.memory_space<vmem>>[vector<16xi32>], vector<16xf32>,
      %get3A_963 = arith.index_cast %add3A_953 : i32 to index
      %get3A_964 = arith.constant 48 : index
      %get3A_965 = tpu.vector_load %arg9[%get3A_963, %get3A_964] {strides = array<i32>} : memref<125x80xi32, #tpu.memory_space<vmem>>, vector<16xi32>,
      tpu.vector_store_idx %arg12[%get3A_965], %broadcast_in_dim3A_817 {add = true} : memref<10000xf32, #tpu.memory_space<vmem>>[vector<16xi32>], vector<16xf32>,
      %get3A_966 = arith.index_cast %add3A_953 : i32 to index
      %get3A_967 = arith.constant 64 : index
      %get3A_968 = tpu.vector_load %arg9[%get3A_966, %get3A_967] {strides = array<i32>} : memref<125x80xi32, #tpu.memory_space<vmem>>, vector<16xi32>,
      tpu.vector_store_idx %arg12[%get3A_968], %broadcast_in_dim3A_817 {add = true} : memref<10000xf32, #tpu.memory_space<vmem>>[vector<16xi32>], vector<16xf32>,
      %dma_wait3A_969 = arith.constant 0 : i32
      %dma_wait3A_970 = arith.constant 0 : i32
      %dma_wait3A_971 = tpu.memref_slice %arg2[%dma_wait3A_969, %dma_wait3A_970] : memref<10000x128xf32, #tpu.memory_space<hbm>> -> memref<80x128xf32, #tpu.memory_space<hbm>>
      %dma_wait3A_972 = arith.constant 0 : i32
      %dma_wait3A_973 = arith.constant 0 : i32
      %dma_wait3A_974 = tpu.memref_slice %arg2[%dma_wait3A_972, %dma_wait3A_973] : memref<10000x128xf32, #tpu.memory_space<hbm>> -> memref<80x128xf32, #tpu.memory_space<hbm>>
      tpu.wait_dma2 semaphore(%arg16 : memref<!tpu.dma_semaphore, #tpu.memory_space<semaphore_mem>>) src(%dma_wait3A_974 : memref<80x128xf32, #tpu.memory_space<hbm>>) dst(%arg11 : memref<80x128xf32, #tpu.memory_space<vmem>>)
      %mul3A_975 = arith.constant 2 : i32
      %mul3A_976 = arith.muli %mul3A_975, %scan3A_885 : i32
      %add3A_977 = arith.constant 3 : i32
      %add3A_978 = arith.addi %mul3A_976, %add3A_977 : i32
      %min3A_979 = arith.constant 124 : i32
      %min3A_980 = arith.minsi %add3A_978, %min3A_979 : i32
      %dma_start3A_981 = arith.constant 0 : i32
      %dma_start3A_982 = tpu.memref_slice %arg8[%min3A_980, %dma_start3A_981] : memref<125x80xi32, #tpu.memory_space<vmem>> -> memref<1x80xi32, #tpu.memory_space<vmem>>
      %dma_start3A_983 = tpu.memref_squeeze %dma_start3A_982 : memref<1x80xi32, #tpu.memory_space<vmem>> -> memref<80xi32, #tpu.memory_space<vmem>>
      %dma_start3A_984 = arith.constant 0 : i32
      %dma_start3A_985 = arith.constant 0 : i32
      %dma_start3A_986 = tpu.memref_slice %arg2[%dma_start3A_984, %dma_start3A_985] : memref<10000x128xf32, #tpu.memory_space<hbm>> -> memref<10000x128xf32, #tpu.memory_space<hbm>>
      tpu.enqueue_indirect_dma source(%dma_start3A_986 : memref<10000x128xf32, #tpu.memory_space<hbm>>) target(%arg11 : memref<80x128xf32, #tpu.memory_space<vmem>>) offsets(%dma_start3A_983 : memref<80xi32, #tpu.memory_space<vmem>>) semaphore(%arg14 : memref<!tpu.dma_semaphore, #tpu.memory_space<semaphore_mem>>)
    }
    %scan3A_836 = arith.constant 62 : i32
    %dma_wait3A = arith.constant 0 : i32
    %dma_wait3A_837 = arith.constant 0 : i32
    %dma_wait3A_838 = tpu.memref_slice %arg2[%dma_wait3A, %dma_wait3A_837] : memref<10000x128xf32, #tpu.memory_space<hbm>> -> memref<80x128xf32, #tpu.memory_space<hbm>>
    %dma_wait3A_839 = arith.constant 0 : i32
    %dma_wait3A_840 = arith.constant 0 : i32
    %dma_wait3A_841 = tpu.memref_slice %arg2[%dma_wait3A_839, %dma_wait3A_840] : memref<10000x128xf32, #tpu.memory_space<hbm>> -> memref<80x128xf32, #tpu.memory_space<hbm>>
    tpu.wait_dma2 semaphore(%arg13 : memref<!tpu.dma_semaphore, #tpu.memory_space<semaphore_mem>>) src(%dma_wait3A_841 : memref<80x128xf32, #tpu.memory_space<hbm>>) dst(%arg10 : memref<80x128xf32, #tpu.memory_space<vmem>>)
    %dma_start3A_842 = arith.constant 124 : i32
    %dma_start3A_843 = arith.constant 0 : i32
    %dma_start3A_844 = tpu.memref_slice %arg9[%dma_start3A_842, %dma_start3A_843] : memref<125x80xi32, #tpu.memory_space<vmem>> -> memref<1x80xi32, #tpu.memory_space<vmem>>
    %dma_start3A_845 = tpu.memref_squeeze %dma_start3A_844 : memref<1x80xi32, #tpu.memory_space<vmem>> -> memref<80xi32, #tpu.memory_space<vmem>>
    %dma_start3A_846 = arith.constant 0 : i32
    %dma_start3A_847 = arith.constant 0 : i32
    %dma_start3A_848 = tpu.memref_slice %arg7[%dma_start3A_846, %dma_start3A_847] : memref<10000x128xf32, #tpu.memory_space<vmem_shared>> -> memref<10000x128xf32, #tpu.memory_space<vmem_shared>>
    tpu.enqueue_indirect_dma source(%arg10 : memref<80x128xf32, #tpu.memory_space<vmem>>) target(%dma_start3A_848 : memref<10000x128xf32, #tpu.memory_space<vmem_shared>>) offsets(%dma_start3A_845 : memref<80xi32, #tpu.memory_space<vmem>>) semaphore(%arg15 : memref<!tpu.dma_semaphore, #tpu.memory_space<semaphore_mem>>) {add = true}
    %get3A = arith.constant 124 : i32
    %get3A_849 = arith.index_cast %get3A : i32 to index
    %get3A_850 = arith.constant 0 : index
    %get3A_851 = tpu.vector_load %arg9[%get3A_849, %get3A_850] {strides = array<i32>} : memref<125x80xi32, #tpu.memory_space<vmem>>, vector<16xi32>,
    tpu.vector_store_idx %arg12[%get3A_851], %broadcast_in_dim3A_817 {add = true} : memref<10000xf32, #tpu.memory_space<vmem>>[vector<16xi32>], vector<16xf32>,
    %get3A_852 = arith.constant 124 : i32
    %get3A_853 = arith.index_cast %get3A_852 : i32 to index
    %get3A_854 = arith.constant 16 : index
    %get3A_855 = tpu.vector_load %arg9[%get3A_853, %get3A_854] {strides = array<i32>} : memref<125x80xi32, #tpu.memory_space<vmem>>, vector<16xi32>,
    tpu.vector_store_idx %arg12[%get3A_855], %broadcast_in_dim3A_817 {add = true} : memref<10000xf32, #tpu.memory_space<vmem>>[vector<16xi32>], vector<16xf32>,
    %get3A_856 = arith.constant 124 : i32
    %get3A_857 = arith.index_cast %get3A_856 : i32 to index
    %get3A_858 = arith.constant 32 : index
    %get3A_859 = tpu.vector_load %arg9[%get3A_857, %get3A_858] {strides = array<i32>} : memref<125x80xi32, #tpu.memory_space<vmem>>, vector<16xi32>,
    tpu.vector_store_idx %arg12[%get3A_859], %broadcast_in_dim3A_817 {add = true} : memref<10000xf32, #tpu.memory_space<vmem>>[vector<16xi32>], vector<16xf32>,
    %get3A_860 = arith.constant 124 : i32
    %get3A_861 = arith.index_cast %get3A_860 : i32 to index
    %get3A_862 = arith.constant 48 : index
    %get3A_863 = tpu.vector_load %arg9[%get3A_861, %get3A_862] {strides = array<i32>} : memref<125x80xi32, #tpu.memory_space<vmem>>, vector<16xi32>,
    tpu.vector_store_idx %arg12[%get3A_863], %broadcast_in_dim3A_817 {add = true} : memref<10000xf32, #tpu.memory_space<vmem>>[vector<16xi32>], vector<16xf32>,
    %get3A_864 = arith.constant 124 : i32
    %get3A_865 = arith.index_cast %get3A_864 : i32 to index
    %get3A_866 = arith.constant 64 : index
    %get3A_867 = tpu.vector_load %arg9[%get3A_865, %get3A_866] {strides = array<i32>} : memref<125x80xi32, #tpu.memory_space<vmem>>, vector<16xi32>,
    tpu.vector_store_idx %arg12[%get3A_867], %broadcast_in_dim3A_817 {add = true} : memref<10000xf32, #tpu.memory_space<vmem>>[vector<16xi32>], vector<16xf32>,
    %dma_wait3A_868 = arith.constant 0 : i32
    %dma_wait3A_869 = arith.constant 0 : i32
    %dma_wait3A_870 = tpu.memref_slice %arg2[%dma_wait3A_868, %dma_wait3A_869] : memref<10000x128xf32, #tpu.memory_space<hbm>> -> memref<80x128xf32, #tpu.memory_space<hbm>>
    %dma_wait3A_871 = arith.constant 0 : i32
    %dma_wait3A_872 = arith.constant 0 : i32
    %dma_wait3A_873 = tpu.memref_slice %arg2[%dma_wait3A_871, %dma_wait3A_872] : memref<10000x128xf32, #tpu.memory_space<hbm>> -> memref<80x128xf32, #tpu.memory_space<hbm>>
    tpu.wait_dma2 semaphore(%arg14 : memref<!tpu.dma_semaphore, #tpu.memory_space<semaphore_mem>>) src(%dma_wait3A_873 : memref<80x128xf32, #tpu.memory_space<hbm>>) dst(%arg11 : memref<80x128xf32, #tpu.memory_space<vmem>>)
    %dma_wait3A_874 = arith.constant 0 : i32
    %dma_wait3A_875 = arith.constant 0 : i32
    %dma_wait3A_876 = tpu.memref_slice %arg2[%dma_wait3A_874, %dma_wait3A_875] : memref<10000x128xf32, #tpu.memory_space<hbm>> -> memref<80x128xf32, #tpu.memory_space<hbm>>
    %dma_wait3A_877 = arith.constant 0 : i32
    %dma_wait3A_878 = arith.constant 0 : i32
    %dma_wait3A_879 = tpu.memref_slice %arg2[%dma_wait3A_877, %dma_wait3A_878] : memref<10000x128xf32, #tpu.memory_space<hbm>> -> memref<80x128xf32, #tpu.memory_space<hbm>>
    tpu.wait_dma2 semaphore(%arg15 : memref<!tpu.dma_semaphore, #tpu.memory_space<semaphore_mem>>) src(%dma_wait3A_879 : memref<80x128xf32, #tpu.memory_space<hbm>>) dst(%arg10 : memref<80x128xf32, #tpu.memory_space<vmem>>)
    %barrier3A_880 = arith.constant 0 : index
    tpu.barrier barrier_id(%barrier3A_880)
    %mul3A_881 = arith.constant 625 : i32
    %mul3A_882 = arith.muli %arg1, %mul3A_881 : i32
    %mul3A_883 = arith.constant 625 : i32
    %mul3A_884 = arith.muli %arg1, %mul3A_883 : i32
    "tpu.region"() ({
      %run_scoped3A = tpu.sem_alloc : memref<!tpu.dma_semaphore, #tpu.memory_space<semaphore_mem>>
      %dma_start3A_885 = arith.constant 0 : i32
      %dma_start3A_886 = tpu.memref_slice %arg5[%arg0, %mul3A_884, %dma_start3A_885] : memref<2x10000x128xf32, #tpu.memory_space<hbm>> -> memref<1x625x128xf32, #tpu.memory_space<hbm>>
      %dma_start3A_887 = tpu.memref_squeeze %dma_start3A_886 : memref<1x625x128xf32, #tpu.memory_space<hbm>> -> memref<625x128xf32, #tpu.memory_space<hbm>>
      %dma_start3A_888 = arith.constant 0 : i32
      %dma_start3A_889 = tpu.memref_slice %arg7[%mul3A_882, %dma_start3A_888] : memref<10000x128xf32, #tpu.memory_space<vmem_shared>> -> memref<625x128xf32, #tpu.memory_space<vmem_shared>>
      tpu.enqueue_dma source(%dma_start3A_889 : memref<625x128xf32, #tpu.memory_space<vmem_shared>>) target(%dma_start3A_887 : memref<625x128xf32, #tpu.memory_space<hbm>>) target_semaphore(%run_scoped3A : memref<!tpu.dma_semaphore, #tpu.memory_space<semaphore_mem>>)
      %dma_wait3A_890 = arith.constant 0 : i32
      %dma_wait3A_891 = tpu.memref_slice %arg5[%arg0, %mul3A_884, %dma_wait3A_890] : memref<2x10000x128xf32, #tpu.memory_space<hbm>> -> memref<1x625x128xf32, #tpu.memory_space<hbm>>
      %dma_wait3A_892 = tpu.memref_squeeze %dma_wait3A_891 : memref<1x625x128xf32, #tpu.memory_space<hbm>> -> memref<625x128xf32, #tpu.memory_space<hbm>>
      %dma_wait3A_893 = arith.constant 0 : i32
      %dma_wait3A_894 = tpu.memref_slice %arg7[%mul3A_882, %dma_wait3A_893] : memref<10000x128xf32, #tpu.memory_space<vmem_shared>> -> memref<625x128xf32, #tpu.memory_space<vmem_shared>>
      tpu.wait_dma2 semaphore(%run_scoped3A : memref<!tpu.dma_semaphore, #tpu.memory_space<semaphore_mem>>) src(%dma_wait3A_894 : memref<625x128xf32, #tpu.memory_space<vmem_shared>>) dst(%dma_wait3A_892 : memref<625x128xf32, #tpu.memory_space<hbm>>)
      tpu.yield
    }) : () -> ()
    "tpu.region"() ({
      %run_scoped3A = tpu.sem_alloc : memref<!tpu.dma_semaphore, #tpu.memory_space<semaphore_mem>>
      %dma_start3A_885 = arith.constant 0 : i32
      %dma_start3A_886 = tpu.memref_slice %arg6[%arg0, %arg1, %dma_start3A_885] : memref<2x16x10000xf32, #tpu.memory_space<hbm>> -> memref<1x1x10000xf32, #tpu.memory_space<hbm>>
      %dma_start3A_887 = tpu.memref_squeeze %dma_start3A_886 : memref<1x1x10000xf32, #tpu.memory_space<hbm>> -> memref<10000xf32, #tpu.memory_space<hbm>>
      %dma_start3A_888 = arith.constant 0 : i32
      %dma_start3A_889 = tpu.memref_slice %arg6[%arg0, %arg1, %dma_start3A_888] : memref<2x16x10000xf32, #tpu.memory_space<hbm>> -> memref<1x1x10000xf32, #tpu.memory_space<hbm>>
      %dma_start3A_890 = tpu.memref_squeeze %dma_start3A_889 : memref<1x1x10000xf32, #tpu.memory_space<hbm>> -> memref<10000xf32, #tpu.memory_space<hbm>>
      tpu.enqueue_dma source(%arg12 : memref<10000xf32, #tpu.memory_space<vmem>>) target(%dma_start3A_890 : memref<10000xf32, #tpu.memory_space<hbm>>) target_semaphore(%run_scoped3A : memref<!tpu.dma_semaphore, #tpu.memory_space<semaphore_mem>>)
      %dma_wait3A_891 = arith.constant 0 : i32
      %dma_wait3A_892 = tpu.memref_slice %arg6[%arg0, %arg1, %dma_wait3A_891] : memref<2x16x10000xf32, #tpu.memory_space<hbm>> -> memref<1x1x10000xf32, #tpu.memory_space<hbm>>
      %dma_wait3A_893 = tpu.memref_squeeze %dma_wait3A_892 : memref<1x1x10000xf32, #tpu.memory_space<hbm>> -> memref<10000xf32, #tpu.memory_space<hbm>>
      %dma_wait3A_894 = arith.constant 0 : i32
      %dma_wait3A_895 = tpu.memref_slice %arg6[%arg0, %arg1, %dma_wait3A_894] : memref<2x16x10000xf32, #tpu.memory_space<hbm>> -> memref<1x1x10000xf32, #tpu.memory_space<hbm>>
      %dma_wait3A_896 = tpu.memref_squeeze %dma_wait3A_895 : memref<1x1x10000xf32, #tpu.memory_space<hbm>> -> memref<10000xf32, #tpu.memory_space<hbm>>
      tpu.wait_dma2 semaphore(%run_scoped3A : memref<!tpu.dma_semaphore, #tpu.memory_space<semaphore_mem>>) src(%arg12 : memref<10000xf32, #tpu.memory_space<vmem>>) dst(%dma_wait3A_896 : memref<10000xf32, #tpu.memory_space<hbm>>)
      tpu.yield
    }) : () -> ()
    return
  }
}

module attributes {stable_mosaic.version = 14 : i64} {
  func.func @_xr_body(%arg0: i32, %arg1: memref<5000x128xf32, #tpu.memory_space<vmem>>, %arg2: memref<128x128xf32, #tpu.memory_space<vmem>>, %arg3: memref<1x128xf32, #tpu.memory_space<vmem>>, %arg4: memref<5000x128xf32, #tpu.memory_space<vmem>>) attributes {dimension_semantics = [#tpu.dimension_semantics<arbitrary>], iteration_bounds = array<i64: 2>, scalar_prefetch = 0 : i64, scratch_operands = 0 : i64, tpu.core_type = #tpu.core_type<tc>, window_params = [{transform_indices = @transform_0, window_bounds = array<i64: 5000, 128>}, {pipeline_mode = #tpu.pipeline_mode<synchronous>, transform_indices = @transform_1, window_bounds = array<i64: 128, 128>}, {pipeline_mode = #tpu.pipeline_mode<synchronous>, transform_indices = @transform_2, window_bounds = array<i64: 1, 128>}, {transform_indices = @transform_3, window_bounds = array<i64: 5000, 128>}]} {
    %get3A = arith.constant 0 : index
    %get3A_0 = arith.constant 0 : index
    %get3A_1 = vector.load %arg1[%get3A, %get3A_0] : memref<5000x128xf32, #tpu.memory_space<vmem>>, vector<5000x128xf32>
    %get3A_2 = arith.constant 0 : index
    %get3A_3 = arith.constant 0 : index
    %get3A_4 = vector.load %arg2[%get3A_2, %get3A_3] : memref<128x128xf32, #tpu.memory_space<vmem>>, vector<128x128xf32>
    %dot_general3A = arith.constant dense<0.000000e+00> : vector<5000x128xf32>
    %dot_general3A_5 = tpu.matmul %get3A_1, %get3A_4, %dot_general3A {dimension_numbers = #tpu.dot_dimension_numbers<[1], [1], [0], [0], [0, 0, 1, 0], [], []>, transpose_lhs_hint = false} : vector<5000x128xf32>, vector<128x128xf32>, vector<5000x128xf32> -> vector<5000x128xf32>
    %get3A_6 = arith.constant 0 : index
    %get3A_7 = arith.constant 0 : index
    %get3A_8 = vector.load %arg3[%get3A_6, %get3A_7] : memref<1x128xf32, #tpu.memory_space<vmem>>, vector<1x128xf32>
    %add3A = vector.broadcast %get3A_8 : vector<1x128xf32> to vector<5000x128xf32>
    %add3A_9 = arith.addf %dot_general3A_5, %add3A : vector<5000x128xf32>
    %swap3A = arith.constant 0 : index
    %swap3A_10 = arith.constant 0 : index
    %swap3A_11 = vector.load %arg4[%swap3A, %swap3A_10] : memref<5000x128xf32, #tpu.memory_space<vmem>>, vector<5000x128xf32>
    tpu.vector_store %arg4[%swap3A, %swap3A_10], %add3A_9 {strides = array<i32>} : memref<5000x128xf32, #tpu.memory_space<vmem>>, vector<5000x128xf32>,
    return
  }
  func.func @transform_0(%arg0: i32) -> (i32, i32) {
    %c0_i32 = arith.constant 0 : i32
    %c0_i32_0 = arith.constant 0 : i32
    return %arg0, %c0_i32 : i32, i32
  }
  func.func @transform_1(%arg0: i32) -> (i32, i32) {
    %c0_i32 = arith.constant 0 : i32
    %c0_i32_0 = arith.constant 0 : i32
    %c0_i32_1 = arith.constant 0 : i32
    return %c0_i32, %c0_i32_0 : i32, i32
  }
  func.func @transform_2(%arg0: i32) -> (i32, i32) {
    %c0_i32 = arith.constant 0 : i32
    %c0_i32_0 = arith.constant 0 : i32
    %c0_i32_1 = arith.constant 0 : i32
    return %c0_i32, %c0_i32_0 : i32, i32
  }
  func.func @transform_3(%arg0: i32) -> (i32, i32) {
    %c0_i32 = arith.constant 0 : i32
    %c0_i32_0 = arith.constant 0 : i32
    return %arg0, %c0_i32 : i32, i32
  }
}

module attributes {stable_mosaic.version = 14 : i64} {
  func.func @_combine_body(%arg0: i32, %arg1: memref<2x5000x128xf32, #tpu.memory_space<vmem>>, %arg2: memref<5000x32xf32, #tpu.memory_space<vmem>>, %arg3: memref<5000x128xf32, #tpu.memory_space<vmem>>, %arg4: memref<128x128xf32, #tpu.memory_space<vmem>>, %arg5: memref<5000x128xf32, #tpu.memory_space<vmem>>) attributes {dimension_semantics = [#tpu.dimension_semantics<arbitrary>], iteration_bounds = array<i64: 2>, scalar_prefetch = 0 : i64, scratch_operands = 0 : i64, tpu.core_type = #tpu.core_type<tc>, window_params = [{transform_indices = @transform_0, window_bounds = array<i64: 2, 5000, 128>}, {transform_indices = @transform_1, window_bounds = array<i64: 5000, 32>}, {transform_indices = @transform_2, window_bounds = array<i64: 5000, 128>}, {pipeline_mode = #tpu.pipeline_mode<synchronous>, transform_indices = @transform_3, window_bounds = array<i64: 128, 128>}, {transform_indices = @transform_4, window_bounds = array<i64: 5000, 128>}]} {
    %get3A = arith.constant 0 : index
    %get3A_0 = arith.constant 0 : index
    %get3A_1 = arith.constant 0 : index
    %get3A_2 = vector.load %arg1[%get3A, %get3A_0, %get3A_1] : memref<2x5000x128xf32, #tpu.memory_space<vmem>>, vector<1x5000x128xf32>
    %get3A_3 = vector.shape_cast %get3A_2 : vector<1x5000x128xf32> to vector<5000x128xf32>
    %get3A_4 = arith.constant 1 : index
    %get3A_5 = arith.constant 0 : index
    %get3A_6 = arith.constant 0 : index
    %get3A_7 = vector.load %arg1[%get3A_4, %get3A_5, %get3A_6] : memref<2x5000x128xf32, #tpu.memory_space<vmem>>, vector<1x5000x128xf32>
    %get3A_8 = vector.shape_cast %get3A_7 : vector<1x5000x128xf32> to vector<5000x128xf32>
    %add3A = arith.addf %get3A_3, %get3A_8 : vector<5000x128xf32>
    %get3A_9 = arith.constant 0 : index
    %get3A_10 = arith.constant 0 : index
    %get3A_11 = vector.load %arg2[%get3A_9, %get3A_10] : memref<5000x32xf32, #tpu.memory_space<vmem>>, vector<5000x32xf32>
    %reduce_sum3A = arith.constant dense<0.000000e+00> : vector<5000xf32>
    %reduce_sum3A_12 = vector.multi_reduction <add>, %get3A_11, %reduce_sum3A [1] : vector<5000x32xf32> to vector<5000xf32>
    %max3A = arith.constant 1.000000e+00 : f32
    %max3A_13 = vector.broadcast %max3A : f32 to vector<5000xf32>
    %max3A_14 = arith.maximumf %reduce_sum3A_12, %max3A_13 : vector<5000xf32>
    %broadcast_in_dim3A = vector.shape_cast %max3A_14 : vector<5000xf32> to vector<5000x1xf32>
    %div3A = vector.broadcast %broadcast_in_dim3A : vector<5000x1xf32> to vector<5000x128xf32>
    %div3A_15 = arith.divf %add3A, %div3A : vector<5000x128xf32>
    %get3A_16 = arith.constant 0 : index
    %get3A_17 = arith.constant 0 : index
    %get3A_18 = vector.load %arg4[%get3A_16, %get3A_17] : memref<128x128xf32, #tpu.memory_space<vmem>>, vector<128x128xf32>
    %dot_general3A = arith.constant dense<0.000000e+00> : vector<5000x128xf32>
    %dot_general3A_19 = tpu.matmul %div3A_15, %get3A_18, %dot_general3A {dimension_numbers = #tpu.dot_dimension_numbers<[1], [1], [0], [0], [0, 0, 1, 0], [], []>, transpose_lhs_hint = false} : vector<5000x128xf32>, vector<128x128xf32>, vector<5000x128xf32> -> vector<5000x128xf32>
    %get3A_20 = arith.constant 0 : index
    %get3A_21 = arith.constant 0 : index
    %get3A_22 = vector.load %arg3[%get3A_20, %get3A_21] : memref<5000x128xf32, #tpu.memory_space<vmem>>, vector<5000x128xf32>
    %add3A_23 = arith.addf %dot_general3A_19, %get3A_22 : vector<5000x128xf32>
    %max3A_24 = arith.constant 0.000000e+00 : f32
    %max3A_25 = vector.broadcast %max3A_24 : f32 to vector<5000x128xf32>
    %max3A_26 = arith.maximumf %add3A_23, %max3A_25 : vector<5000x128xf32>
    %swap3A = arith.constant 0 : index
    %swap3A_27 = arith.constant 0 : index
    %swap3A_28 = vector.load %arg5[%swap3A, %swap3A_27] : memref<5000x128xf32, #tpu.memory_space<vmem>>, vector<5000x128xf32>
    tpu.vector_store %arg5[%swap3A, %swap3A_27], %max3A_26 {strides = array<i32>} : memref<5000x128xf32, #tpu.memory_space<vmem>>, vector<5000x128xf32>,
    return
  }
  func.func @transform_0(%arg0: i32) -> (i32, i32, i32) {
    %c0_i32 = arith.constant 0 : i32
    %c0_i32_0 = arith.constant 0 : i32
    %c0_i32_1 = arith.constant 0 : i32
    return %c0_i32, %arg0, %c0_i32_0 : i32, i32, i32
  }
  func.func @transform_1(%arg0: i32) -> (i32, i32) {
    %c0_i32 = arith.constant 0 : i32
    %c0_i32_0 = arith.constant 0 : i32
    return %arg0, %c0_i32 : i32, i32
  }
  func.func @transform_2(%arg0: i32) -> (i32, i32) {
    %c0_i32 = arith.constant 0 : i32
    %c0_i32_0 = arith.constant 0 : i32
    return %arg0, %c0_i32 : i32, i32
  }
  func.func @transform_3(%arg0: i32) -> (i32, i32) {
    %c0_i32 = arith.constant 0 : i32
    %c0_i32_0 = arith.constant 0 : i32
    %c0_i32_1 = arith.constant 0 : i32
    return %c0_i32, %c0_i32_0 : i32, i32
  }
  func.func @transform_4(%arg0: i32) -> (i32, i32) {
    %c0_i32 = arith.constant 0 : i32
    %c0_i32_0 = arith.constant 0 : i32
    return %arg0, %c0_i32 : i32, i32
  }
}

</mosaic_0001>

<sc_bundles>
// kernel: kernel.5.cloned.1.call-start
scs
__scs_entry_jumppad:
0x0: {  	(pc) =	sbr.rel $0x88, $3  }
0x1: {  	(tag) =	ssettag $0x0;
	lr =	simm.s32 $0x1  }
0x2: {  	[smem:$0x3F9C] =	sst lr;
	_ =	strace $0xD0000000  }
0x3: {  	_ = 	snop  }
0x4: {  	_ = 	snop  }
0x5: {  	_ = 	snop  }
0x6: {  	_ = 	snop  }
0x7: {  	_ = 	snop  }
__scs_overlays_trampoline_lowered:
0x8: {  	[smem:$0x3FAB] =	sst s0  }
0x9: {  	[smem:$0x3FAC] =	sst s1  }
0xa: {  	[smem:$0x3FAD] =	sst s2  }
0xb: {  	[smem:$0x3FAE] =	sst s3  }
0xc: {  	[smem:$0x3FAF] =	sst s4  }
0xd: {  	[smem:$0x3FB0] =	sst s5  }
0xe: {  	[smem:$0x3FB1] =	sst s6  }
0xf: {  	[smem:$0x3FB2] =	sst s7  }
0x10: {  	[smem:$0x3FB3] =	sst s8  }
0x11: {  	[smem:$0x3FB4] =	sst s9;
	s0 =	simm.s32 @!p0 $0x0  }
0x12: {  	s1 =	sld [smem:$0x3F9A];
	s0 =	simm.s32 @p0 $0x1  }
0x13: {  	[smem:$0x3FB5] =	sst s0;
	s0 =	simm.s32 @!p1 $0x0  }
0x14: {  	s2 =	sld [smem:$0x3F99];
	s0 =	simm.s32 @p1 $0x1  }
0x15: {  	[smem:$0x3FB6] =	sst s0;
	s0 =	simm.s32 @!p2 $0x0  }
0x16: {  	s3 =	sld [smem:$0x3FDB];
	s0 =	simm.s32 @p2 $0x1  }
0x17: {  	s4 =	simm.s32 $0x1BF5;
	[smem:$0x3FB8] =	sst s0  }
0x18: {  	s0 =	sld [smem:$0x3F9B];
	_ =	swait.ge [sflag:s4], $0x0  }
0x19: {  	s7 =	sld [smem:$0x3F9C]  }
0x1a: {  	s8 =	sadd.s32 $0xFFFFE003, lr  }
0x1b: {  	s9 =	sadd.s32 $0xFFFFFEF7, lr;
	s5 =	simm.s32 $0xFFFFFFFF;
	p2 =	slt.u32 s8, $0xFFFFF086  }
0x1c: {  	p1 =	slt.u32 s9, $0xF7A;
	s5 =	simm.s32 @!p2 $0x0  }
0x1d: {  	s5 =	simm.s32 @p1 $0x1;
	p0 =	seq.s32 s7, s2  }
0x1e: {  	s7 =	smul.u32 @!p0 $0xF7A, s2;
	p2 =	seq.s32 @!p0 s5, $0x0  }
0x1f: {  	s9 =	smul.u32 $0xF7A, s1;
	s8 =	simm.s32 @!p0 $0x1BF5;
	p2 =	por !p2, p0  }
0x20: {  	[sflag:s8] =	ssyncset.s32 @!p0 $0xFFFFF086;
	s6 =	sadd.s32 @!p0 s3, s7;
	s7 =	simm.s32 @!p0 $0x108  }
0x21: {  	s3 =	sadd.s32 s3, s9;
	s6 =	sadd.s32 @!p0 $0x88, s6;
	s7 =	simm.s32 @p2 $0x1082  }
0x22: {  	[simem:s7], [sflag:s8] =	dma.local @!p0 [hbm:s6], $0xF7A  }
0x23: {  	s9 =	sor.u32 $0xD0000000, s2;
	s6 =	simm.s32 $0x108;
	_ =	swait.ge @!p0 [sflag:s8], $0x0  }
0x24: {  	s3 =	sadd.s32 $0x88, s3;
	s6 =	simm.s32 @!p1 $0x1082;
	[sflag:s4] =	ssyncset.s32 $0xFFFFF086  }
0x25: {  	[simem:s6], [sflag:s4] =	dma.local [hbm:s3], $0xF7A  }
0x26: {  	[smem:$0x3F9C] =	sst s1;
	(tag) =	ssettag s2;
	_ =	strace s9  }
0x27: {  	s1 =	sld [smem:$0x3FAC]  }
0x28: {  	s2 =	sld [smem:$0x3FAD]  }
0x29: {  	s4 =	sld [smem:$0x3FAF]  }
0x2a: {  	p0 =	seq.s32 s5, $0x0;
	s5 =	sld [smem:$0x3FB0]  }
0x2b: {  	s6 =	sld [smem:$0x3FB1]  }
0x2c: {  	s7 =	sld [smem:$0x3FB2]  }
0x2d: {  	s3 =	simm.s32 $0x108;
	s8 =	sld [smem:$0x3FB3]  }
0x2e: {  	s3 =	simm.s32 @!p0 $0x1082;
	s9 =	sld [smem:$0x3FB4]  }
0x2f: {  	lr =	sadd.s32 s0, s3;
	s0 =	sld [smem:$0x3FAB]  }
0x30: {  	s3 =	sld [smem:$0x3FAE]  }
0x31: {  	[smem:$0x3FB7] =	sst s10  }
0x32: {  	s10 =	sld [smem:$0x3FB5];
	_ =	sdelay $0x3  }
0x33: {  	p0 =	seq.s32 s10, $0x1;
	s10 =	sld [smem:$0x3FB7];
	_ =	sdelay $0x3  }
0x34: {  	[smem:$0x3FB7] =	sst s10  }
0x35: {  	s10 =	sld [smem:$0x3FB6];
	_ =	sdelay $0x3  }
0x36: {  	p1 =	seq.s32 s10, $0x1;
	s10 =	sld [smem:$0x3FB7];
	_ =	sdelay $0x3  }
0x37: {  	[smem:$0x3FB7] =	sst s10  }
0x38: {  	s10 =	sld [smem:$0x3FB8]  }
0x39: {  	_ = 	snop;
	(pc) =	sbr.ind lr, $3  }
0x3a: {  	_ = 	snop  }
0x3b: {  	_ = 	snop  }
0x3c: {  	p2 =	seq.s32 s10, $0x1;
	s10 =	sld [smem:$0x3FB7]  }
0x3d: {  	_ =	shalt  }
0x3e: {  	_ =	shalt  }
0x3f: {  	_ =	shalt  }
0x40: {  	_ =	shalt  }
0x41: {  	_ =	shalt  }
0x42: {  	_ =	shalt  }
0x43: {  	_ =	shalt  }
0x44: {  	_ =	shalt  }
0x45: {  	_ =	shalt  }
0x46: {  	_ =	shalt  }
0x47: {  	_ =	shalt  }
0x48: {  	_ =	shalt  }
0x49: {  	_ =	shalt  }
0x4a: {  	_ =	shalt  }
0x4b: {  	_ =	shalt  }
0x4c: {  	_ =	shalt  }
0x4d: {  	_ =	shalt  }
0x4e: {  	_ =	shalt  }
0x4f: {  	_ =	shalt  }
0x50: {  	_ =	shalt  }
0x51: {  	_ =	shalt  }
0x52: {  	_ =	shalt  }
0x53: {  	_ =	shalt  }
0x54: {  	_ =	shalt  }
0x55: {  	_ =	shalt  }
0x56: {  	_ =	shalt  }
0x57: {  	_ =	shalt  }
0x58: {  	_ =	shalt  }
0x59: {  	_ =	shalt  }
0x5a: {  	_ =	shalt  }
0x5b: {  	_ =	shalt  }
0x5c: {  	_ =	shalt  }
0x5d: {  	_ =	shalt  }
0x5e: {  	_ =	shalt  }
0x5f: {  	_ =	shalt  }
0x60: {  	_ =	shalt  }
0x61: {  	_ =	shalt  }
0x62: {  	_ =	shalt  }
0x63: {  	_ =	shalt  }
0x64: {  	_ =	shalt  }
0x65: {  	_ =	shalt  }
0x66: {  	_ =	shalt  }
0x67: {  	_ =	shalt  }
0x68: {  	_ =	shalt  }
0x69: {  	_ =	shalt  }
0x6a: {  	_ =	shalt  }
0x6b: {  	_ =	shalt  }
0x6c: {  	_ =	shalt  }
0x6d: {  	_ =	shalt  }
0x6e: {  	_ =	shalt  }
0x6f: {  	_ =	shalt  }
0x70: {  	_ =	shalt  }
0x71: {  	_ =	shalt  }
0x72: {  	_ =	shalt  }
0x73: {  	_ =	shalt  }
0x74: {  	_ =	shalt  }
0x75: {  	_ =	shalt  }
0x76: {  	_ =	shalt  }
0x77: {  	_ =	shalt  }
0x78: {  	_ =	shalt  }
0x79: {  	_ =	shalt  }
0x7a: {  	_ =	shalt  }
0x7b: {  	_ =	shalt  }
0x7c: {  	_ =	shalt  }
0x7d: {  	_ =	shalt  }
0x7e: {  	_ =	shalt  }
0x7f: {  	_ =	shalt  }
0x80: {  	_ =	shalt  }
0x81: {  	_ =	shalt  }
0x82: {  	_ =	shalt  }
0x83: {  	_ =	shalt  }
0x84: {  	_ =	shalt  }
0x85: {  	_ =	shalt  }
0x86: {  	_ =	shalt  }
0x87: {  	_ =	shalt  }
.Lfunc_end0:
.L_simem_size_0:
called_computation_lowered:
.L_overlay_start_0:
0x88: {  	s2 =	sld [smem:$0x3FD9]  }
0x89: {  	s3 =	sld [smem:$0x3FFE];
	_ =	sdelay $0x1  }
0x8a: {  	s1 =	srdreg.scid  }
0x8b: {  	s0 =	sand.u32 $0x1, s1  }
0x8c: {  	s17 =	sshll.u32 s0, $0xA;
	s2 =	sadd.s32 s3, s2  }
0x8d: {  	s2 =	sadd.s32 s2, s17  }
0x8e: {  	[smem:$0x3FC3] =	sst s2  }
0x8f: {  	_ = 	snop  }
0x90: {  	s2 =	sld [smem:$0x3FC9]  }
0x91: {  	s18 =	sld [smem:$0x3FD0];
	(tm) =	ssettm $0x1  }
0x92: {  	s4 =	sld [smem:$0x3FFB];
	_ =	sdelay $0x3  }
0x93: {  	_ =	strace s4  }
0x94: {  	s4 =	sld [smem:$0x3FFC];
	_ =	sdelay $0x3  }
0x95: {  	_ =	strace s4  }
0x96: {  	s4 =	sld [smem:$0x3FFD];
	_ =	sdelay $0x3  }
0x97: {  	_ =	strace s4  }
0x98: {  	_ =	strace $0x8FFFFFFF  }
0x99: {  	s19 =	sld [smem:$0x3FDB];
	_ =	sdelay $0x1  }
0x9a: {  	s5 =	simm.s32 $_scs_section_size  }
0x9b: {  	s6 =	simm.s32 $_size__tile_overlayer_lowered;
	s7 =	simm.s32 $_tile_overlayer_lowered  }
0x9c: {  	s22 =	simm.s32 $0x1BFF;
	s21 =	sshll.u32 s7, $0x1;
	s4 =	sadd.s32 s5, s19  }
0x9d: {  	s8 =	simm.s32 $0x0;
	s20 =	sshll.u32 s6, $0x1;
	s6 =	sadd.s32 s21, s4  }
0x9e: {  	[timem:s8], [sflag:s22] =	dma.local [hbm:s6], s20  }
0x9f: {  	_ =	swait.ge [sflag:s22], s20  }
0xa0: {  	s5 =	ssub.s32 $0x0, s20;
	[sflag:s22] =	ssyncset.done $0x0  }
0xa1: {  	[sflag:s22] =	ssyncadd.s32 s5;
	_ =	sdelay $0x1  }
0xa2: {  	s23 =	simm.s32 $0x1B8B  }
0xa3: {  	_ =	swait.ge [sflag:s23], $0x1  }
0xa4: {  	[sflag:s23] =	ssyncset.done $0x0  }
0xa5: {  	s25 =	simm.s32 $0x1B8E;
	s24 =	sld [smem:$0x3FFE];
	[sflag:s23] =	ssyncadd.s32 $0xFFFFFFFF  }
0xa6: {  	s26 =	simm.s32 $execute0_lowered;
	[smem:$0x3FD2] =	sst s25  }
0xa7: {  	s6 =	sshll.u32 s26, $0x1;
	_ =	strace $0x80000046;
	[dreg:$0x1] =	wrdreg $0xFFFFFFFF  }
0xa8: {  	s28 =	simm.s32 $_size_execute0_lowered;
	s4 =	sadd.s32 s4, s6;
	[dreg:$0x0] =	wrdreg $0x0  }
0xa9: {  	s6 =	sshll.u32 s28, $0x1;
	[dreg:$0x2] =	wrdreg s4  }
0xaa: {  	[dreg:$0x3] =	wrdreg s6  }
0xab: {  	[dreg:$0x4] =	wrdreg $0xC0  }
0xac: {  	_ =	task [dreg:s8], $0x5FFFF  }
0xad: {  	[dreg:$0x1] =	wrdreg $0xFFFFFFFF  }
0xae: {  	[dreg:$0x0] =	wrdreg $0x60  }
0xaf: {  	[dreg:$0x2] =	wrdreg s2  }
0xb0: {  	[dreg:$0x3] =	wrdreg s24  }
0xb1: {  	[dreg:$0x4] =	wrdreg s18  }
0xb2: {  	[dreg:$0x5] =	wrdreg $0x0  }
0xb3: {  	[dreg:$0x6] =	wrdreg $0x9  }
0xb4: {  	_ =	task.clear_ibuf [dreg:s8], $0x7FFFF;
	_ =	strace $0x90000046  }
0xb5: {  	s29 =	simm.s32 $0x9;
	_ =	strace $0x80000048  }
0xb6: {  	_ =	swait.ge [sflag:s29], $0x1  }
0xb7: {  	[sflag:s29] =	ssyncadd.s32 $0xFFFFFFFF  }
0xb8: {  	_ =	strace $0x90000048  }
0xb9: {  	_ =	sfence  }
0xba: {  	s30 =	sld [smem:$0x0];
	_ =	sdelay $0x2  }
0xbb: {  	s31 =	sshll.u32 s1, $0xD;
	s1 =	sshrl.u32 s1, $0x2  }
0xbc: {  	s3 =	sand.u32 $0x4000, s31;
	s1 =	sadd.s32 s1, s30  }
0xbd: {  	s0 =	sor.u32 s3, s0;
	s1 =	sshll.u32 s1, $0x11  }
0xbe: {  	s0 =	sor.u32 s1, s0  }
0xbf: {  	s0 =	sadd.s32 $0x8F2B, s0  }
0xc0: {  	[sflag:s0] =	ssyncadd.remote.s32 $0x1  }
0xc1: {  	_ =	sfence.sel $0xFFFF  }
0xc2: {  	[dreg:$0x0] =	wrdreg $0xFFFFFFFF;
	(pc) =	sbr.abs _section_cstart, $3  }
0xc3: {  	[dreg:$0x1] =	wrdreg $0xFFFFFFFF  }
0xc4: {  	_ =	task.clear_ibuf [dreg:s8], $0x2FFFF;
	_ =	strace $0x9FFFFFFF  }
0xc5: {  	(tm) =	ssettm $0x7FFFFFFF  }
tec
execute0_lowered:
.L_overlay_start_1:
0x0: {  	(tag) =	ssettag $0x1  }
0x1: {  	s1 =	rddreg [dreg:$0x0]  }
0x2: {  	s6 =	rddreg [dreg:$0x1]  }
0x3: {  	s8 =	rddreg [dreg:$0x2]  }
0x4: {  	s0 =	srdreg.scid;
	s3 =	rddreg [dreg:$0x3];
	s4 =	simm.s32 $0x0  }
0x5: {  	s15 =	simm.s32 $0x50;
	s16 =	simm.s32 $0x138D0;
	s17 =	simm.s32 $0x1AEA0  }
0x6: {  	s18 =	simm.s32 $0x1;
	s19 =	simm.s32 $0x1D6A0;
	s20 =	simm.s32 $0x2  }
0x7: {  	s21 =	simm.s32 $0x3;
	s22 =	simm.s32 $0x4;
	s5 =	sand.u32 $0x1, s0  }
0x8: {  	s23 =	simm.s32 $0x185B0;
	s0 =	stileid.u32;
	s9 =	smul.u32 $0x138800, s5  }
0x9: {  	s24 =	simm.s32 $0x18600;
	s28 =	simm.s32 $0x18650;
	s10 =	smul.u32 $0x13880, s0  }
0xa: {  	s29 =	simm.s32 $0x0;
	[smem:$0x7FF] =	sst s4;
	s11 =	smul.u32 $0x27100, s5  }
0xb: {  	s2 =	sshll.u32 s5, $0x4;
	s12 =	smul.u32 $0x2710, s0;
	_ =	strace $0x80000047  }
0xc: {  	s5 =	ssub.s32 $0x2, s5;
	s30 =	smul.u32 $0x4E200, s0;
	s2 =	sor.u32 s0, s2  }
0xd: {  	s26 =	sshrl.u32 s5, $0x1;
	s7 =	smul.u32 $0x4E2, s2;
	s9 =	sadd.s32 s10, s9  }
0xe: {  	s11 =	sadd.s32 s12, s11;
	s14 =	ssub.s32 s5, s26;
	s25 =	sadd.s32 s10, s3  }
0xf: {  	s31 =	sshrl.u32 s30, $0x2;
	s12 =	simm.s32 $0x5;
	s26 =	simm.s32 $0x15F40  }
0x10: {  	s9 =	sshrl.u32 s9, $0x3;
	s11 =	sshrl.u32 s11, $0x3;
	s10 =	sadd.s32 s31, s3  }
0x11: {  	s25 =	sshrl.u32 s25, $0x3;
	s13 =	sadd.s32 s7, s6;
	s9 =	sadd.s32 s9, s6  }
0x12: {  	s11 =	sadd.s32 s11, s6;
	s6 =	sadd.s32 s8, s7;
	s5 =	sadd.s32 $0x1000, s13  }
0x13: {  	s7 =	sadd.s32 $0x14C00, s9;
	s8 =	sadd.s32 $0xAE00, s11;
	s9 =	smax.u32 s14, $0x1  }
0x14: {  	v0 =	vimm.f32 $0.0e+00;
	v1 =	vimm.f32 $1.000000000e+00;
	s11 =	simm.s32 $0x13880;
	s13 =	simm.s32 $0x15F90;
	s14 =	simm.s32 $0x186A0  }
.LBB2_1:
0x15: {  	[tilespmem:$0x186A0] =	vst v0  }
0x16: {  	[tilespmem:$0x186B0] =	vst v0  }
0x17: {  	[tilespmem:$0x186C0] =	vst v0  }
0x18: {  	[tilespmem:$0x186D0] =	vst v0  }
0x19: {  	[tilespmem:$0x186E0] =	vst v0  }
0x1a: {  	[tilespmem:$0x186F0] =	vst v0  }
0x1b: {  	[tilespmem:$0x18700] =	vst v0  }
0x1c: {  	[tilespmem:$0x18710] =	vst v0  }
0x1d: {  	[tilespmem:$0x18720] =	vst v0  }
0x1e: {  	[tilespmem:$0x18730] =	vst v0  }
0x1f: {  	[tilespmem:$0x18740] =	vst v0  }
0x20: {  	[tilespmem:$0x18750] =	vst v0  }
0x21: {  	[tilespmem:$0x18760] =	vst v0  }
0x22: {  	[tilespmem:$0x18770] =	vst v0  }
0x23: {  	[tilespmem:$0x18780] =	vst v0  }
0x24: {  	[tilespmem:$0x18790] =	vst v0  }
0x25: {  	[tilespmem:$0x187A0] =	vst v0  }
0x26: {  	[tilespmem:$0x187B0] =	vst v0  }
0x27: {  	[tilespmem:$0x187C0] =	vst v0  }
0x28: {  	[tilespmem:$0x187D0] =	vst v0  }
0x29: {  	[tilespmem:$0x187E0] =	vst v0  }
0x2a: {  	[tilespmem:$0x187F0] =	vst v0  }
0x2b: {  	[tilespmem:$0x18800] =	vst v0  }
0x2c: {  	[tilespmem:$0x18810] =	vst v0  }
0x2d: {  	[tilespmem:$0x18820] =	vst v0  }
0x2e: {  	[tilespmem:$0x18830] =	vst v0  }
0x2f: {  	[tilespmem:$0x18840] =	vst v0  }
0x30: {  	[tilespmem:$0x18850] =	vst v0  }
0x31: {  	[tilespmem:$0x18860] =	vst v0  }
0x32: {  	[tilespmem:$0x18870] =	vst v0  }
0x33: {  	[tilespmem:$0x18880] =	vst v0  }
0x34: {  	[tilespmem:$0x18890] =	vst v0  }
0x35: {  	[tilespmem:$0x188A0] =	vst v0  }
0x36: {  	[tilespmem:$0x188B0] =	vst v0  }
0x37: {  	[tilespmem:$0x188C0] =	vst v0  }
0x38: {  	[tilespmem:$0x188D0] =	vst v0  }
0x39: {  	[tilespmem:$0x188E0] =	vst v0  }
0x3a: {  	[tilespmem:$0x188F0] =	vst v0  }
0x3b: {  	[tilespmem:$0x18900] =	vst v0  }
0x3c: {  	[tilespmem:$0x18910] =	vst v0  }
0x3d: {  	[tilespmem:$0x18920] =	vst v0  }
0x3e: {  	[tilespmem:$0x18930] =	vst v0  }
0x3f: {  	[tilespmem:$0x18940] =	vst v0  }
0x40: {  	[tilespmem:$0x18950] =	vst v0  }
0x41: {  	[tilespmem:$0x18960] =	vst v0  }
0x42: {  	[tilespmem:$0x18970] =	vst v0  }
0x43: {  	[tilespmem:$0x18980] =	vst v0  }
0x44: {  	[tilespmem:$0x18990] =	vst v0  }
0x45: {  	[tilespmem:$0x189A0] =	vst v0  }
0x46: {  	[tilespmem:$0x189B0] =	vst v0  }
0x47: {  	[tilespmem:$0x189C0] =	vst v0  }
0x48: {  	[tilespmem:$0x189D0] =	vst v0  }
0x49: {  	[tilespmem:$0x189E0] =	vst v0  }
0x4a: {  	[tilespmem:$0x189F0] =	vst v0  }
0x4b: {  	[tilespmem:$0x18A00] =	vst v0  }
0x4c: {  	[tilespmem:$0x18A10] =	vst v0  }
0x4d: {  	[tilespmem:$0x18A20] =	vst v0  }
0x4e: {  	[tilespmem:$0x18A30] =	vst v0  }
0x4f: {  	[tilespmem:$0x18A40] =	vst v0  }
0x50: {  	[tilespmem:$0x18A50] =	vst v0  }
0x51: {  	[tilespmem:$0x18A60] =	vst v0  }
0x52: {  	[tilespmem:$0x18A70] =	vst v0  }
0x53: {  	[tilespmem:$0x18A80] =	vst v0  }
0x54: {  	[tilespmem:$0x18A90] =	vst v0  }
0x55: {  	[tilespmem:$0x18AA0] =	vst v0  }
0x56: {  	[tilespmem:$0x18AB0] =	vst v0  }
0x57: {  	[tilespmem:$0x18AC0] =	vst v0  }
0x58: {  	[tilespmem:$0x18AD0] =	vst v0  }
0x59: {  	[tilespmem:$0x18AE0] =	vst v0  }
0x5a: {  	[tilespmem:$0x18AF0] =	vst v0  }
0x5b: {  	[tilespmem:$0x18B00] =	vst v0  }
0x5c: {  	[tilespmem:$0x18B10] =	vst v0  }
0x5d: {  	[tilespmem:$0x18B20] =	vst v0  }
0x5e: {  	[tilespmem:$0x18B30] =	vst v0  }
0x5f: {  	[tilespmem:$0x18B40] =	vst v0  }
0x60: {  	[tilespmem:$0x18B50] =	vst v0  }
0x61: {  	[tilespmem:$0x18B60] =	vst v0  }
0x62: {  	[tilespmem:$0x18B70] =	vst v0  }
0x63: {  	[tilespmem:$0x18B80] =	vst v0  }
0x64: {  	[tilespmem:$0x18B90] =	vst v0  }
0x65: {  	[tilespmem:$0x18BA0] =	vst v0  }
0x66: {  	[tilespmem:$0x18BB0] =	vst v0  }
0x67: {  	[tilespmem:$0x18BC0] =	vst v0  }
0x68: {  	[tilespmem:$0x18BD0] =	vst v0  }
0x69: {  	[tilespmem:$0x18BE0] =	vst v0  }
0x6a: {  	[tilespmem:$0x18BF0] =	vst v0  }
0x6b: {  	[tilespmem:$0x18C00] =	vst v0  }
0x6c: {  	[tilespmem:$0x18C10] =	vst v0  }
0x6d: {  	[tilespmem:$0x18C20] =	vst v0  }
0x6e: {  	[tilespmem:$0x18C30] =	vst v0  }
0x6f: {  	[tilespmem:$0x18C40] =	vst v0  }
0x70: {  	[tilespmem:$0x18C50] =	vst v0  }
0x71: {  	[tilespmem:$0x18C60] =	vst v0  }
0x72: {  	[tilespmem:$0x18C70] =	vst v0  }
0x73: {  	[tilespmem:$0x18C80] =	vst v0  }
0x74: {  	[tilespmem:$0x18C90] =	vst v0  }
0x75: {  	[tilespmem:$0x18CA0] =	vst v0  }
0x76: {  	[tilespmem:$0x18CB0] =	vst v0  }
0x77: {  	[tilespmem:$0x18CC0] =	vst v0  }
0x78: {  	[tilespmem:$0x18CD0] =	vst v0  }
0x79: {  	[tilespmem:$0x18CE0] =	vst v0  }
0x7a: {  	[tilespmem:$0x18CF0] =	vst v0  }
0x7b: {  	[tilespmem:$0x18D00] =	vst v0  }
0x7c: {  	[tilespmem:$0x18D10] =	vst v0  }
0x7d: {  	[tilespmem:$0x18D20] =	vst v0  }
0x7e: {  	[tilespmem:$0x18D30] =	vst v0  }
0x7f: {  	[tilespmem:$0x18D40] =	vst v0  }
0x80: {  	[tilespmem:$0x18D50] =	vst v0  }
0x81: {  	[tilespmem:$0x18D60] =	vst v0  }
0x82: {  	[tilespmem:$0x18D70] =	vst v0  }
0x83: {  	[tilespmem:$0x18D80] =	vst v0  }
0x84: {  	[tilespmem:$0x18D90] =	vst v0  }
0x85: {  	[tilespmem:$0x18DA0] =	vst v0  }
0x86: {  	[tilespmem:$0x18DB0] =	vst v0  }
0x87: {  	[tilespmem:$0x18DC0] =	vst v0  }
0x88: {  	[tilespmem:$0x18DD0] =	vst v0  }
0x89: {  	[tilespmem:$0x18DE0] =	vst v0  }
0x8a: {  	[tilespmem:$0x18DF0] =	vst v0  }
0x8b: {  	[tilespmem:$0x18E00] =	vst v0  }
0x8c: {  	[tilespmem:$0x18E10] =	vst v0  }
0x8d: {  	[tilespmem:$0x18E20] =	vst v0  }
0x8e: {  	[tilespmem:$0x18E30] =	vst v0  }
0x8f: {  	[tilespmem:$0x18E40] =	vst v0  }
0x90: {  	[tilespmem:$0x18E50] =	vst v0  }
0x91: {  	[tilespmem:$0x18E60] =	vst v0  }
0x92: {  	[tilespmem:$0x18E70] =	vst v0  }
0x93: {  	[tilespmem:$0x18E80] =	vst v0  }
0x94: {  	[tilespmem:$0x18E90] =	vst v0  }
0x95: {  	[tilespmem:$0x18EA0] =	vst v0  }
0x96: {  	[tilespmem:$0x18EB0] =	vst v0  }
0x97: {  	[tilespmem:$0x18EC0] =	vst v0  }
0x98: {  	[tilespmem:$0x18ED0] =	vst v0  }
0x99: {  	[tilespmem:$0x18EE0] =	vst v0  }
0x9a: {  	[tilespmem:$0x18EF0] =	vst v0  }
0x9b: {  	[tilespmem:$0x18F00] =	vst v0  }
0x9c: {  	[tilespmem:$0x18F10] =	vst v0  }
0x9d: {  	[tilespmem:$0x18F20] =	vst v0  }
0x9e: {  	[tilespmem:$0x18F30] =	vst v0  }
0x9f: {  	[tilespmem:$0x18F40] =	vst v0  }
0xa0: {  	[tilespmem:$0x18F50] =	vst v0  }
0xa1: {  	[tilespmem:$0x18F60] =	vst v0  }
0xa2: {  	[tilespmem:$0x18F70] =	vst v0  }
0xa3: {  	[tilespmem:$0x18F80] =	vst v0  }
0xa4: {  	[tilespmem:$0x18F90] =	vst v0  }
0xa5: {  	[tilespmem:$0x18FA0] =	vst v0  }
0xa6: {  	[tilespmem:$0x18FB0] =	vst v0  }
0xa7: {  	[tilespmem:$0x18FC0] =	vst v0  }
0xa8: {  	[tilespmem:$0x18FD0] =	vst v0  }
0xa9: {  	[tilespmem:$0x18FE0] =	vst v0  }
0xaa: {  	[tilespmem:$0x18FF0] =	vst v0  }
0xab: {  	[tilespmem:$0x19000] =	vst v0  }
0xac: {  	[tilespmem:$0x19010] =	vst v0  }
0xad: {  	[tilespmem:$0x19020] =	vst v0  }
0xae: {  	[tilespmem:$0x19030] =	vst v0  }
0xaf: {  	[tilespmem:$0x19040] =	vst v0  }
0xb0: {  	[tilespmem:$0x19050] =	vst v0  }
0xb1: {  	[tilespmem:$0x19060] =	vst v0  }
0xb2: {  	[tilespmem:$0x19070] =	vst v0  }
0xb3: {  	[tilespmem:$0x19080] =	vst v0  }
0xb4: {  	[tilespmem:$0x19090] =	vst v0  }
0xb5: {  	[tilespmem:$0x190A0] =	vst v0  }
0xb6: {  	[tilespmem:$0x190B0] =	vst v0  }
0xb7: {  	[tilespmem:$0x190C0] =	vst v0  }
0xb8: {  	[tilespmem:$0x190D0] =	vst v0  }
0xb9: {  	[tilespmem:$0x190E0] =	vst v0  }
0xba: {  	[tilespmem:$0x190F0] =	vst v0  }
0xbb: {  	[tilespmem:$0x19100] =	vst v0  }
0xbc: {  	[tilespmem:$0x19110] =	vst v0  }
0xbd: {  	[tilespmem:$0x19120] =	vst v0  }
0xbe: {  	[tilespmem:$0x19130] =	vst v0  }
0xbf: {  	[tilespmem:$0x19140] =	vst v0  }
0xc0: {  	[tilespmem:$0x19150] =	vst v0  }
0xc1: {  	[tilespmem:$0x19160] =	vst v0  }
0xc2: {  	[tilespmem:$0x19170] =	vst v0  }
0xc3: {  	[tilespmem:$0x19180] =	vst v0  }
0xc4: {  	[tilespmem:$0x19190] =	vst v0  }
0xc5: {  	[tilespmem:$0x191A0] =	vst v0  }
0xc6: {  	[tilespmem:$0x191B0] =	vst v0  }
0xc7: {  	[tilespmem:$0x191C0] =	vst v0  }
0xc8: {  	[tilespmem:$0x191D0] =	vst v0  }
0xc9: {  	[tilespmem:$0x191E0] =	vst v0  }
0xca: {  	[tilespmem:$0x191F0] =	vst v0  }
0xcb: {  	[tilespmem:$0x19200] =	vst v0  }
0xcc: {  	[tilespmem:$0x19210] =	vst v0  }
0xcd: {  	[tilespmem:$0x19220] =	vst v0  }
0xce: {  	[tilespmem:$0x19230] =	vst v0  }
0xcf: {  	[tilespmem:$0x19240] =	vst v0  }
0xd0: {  	[tilespmem:$0x19250] =	vst v0  }
0xd1: {  	[tilespmem:$0x19260] =	vst v0  }
0xd2: {  	[tilespmem:$0x19270] =	vst v0  }
0xd3: {  	[tilespmem:$0x19280] =	vst v0  }
0xd4: {  	[tilespmem:$0x19290] =	vst v0  }
0xd5: {  	[tilespmem:$0x192A0] =	vst v0  }
0xd6: {  	[tilespmem:$0x192B0] =	vst v0  }
0xd7: {  	[tilespmem:$0x192C0] =	vst v0  }
0xd8: {  	[tilespmem:$0x192D0] =	vst v0  }
0xd9: {  	[tilespmem:$0x192E0] =	vst v0  }
0xda: {  	[tilespmem:$0x192F0] =	vst v0  }
0xdb: {  	[tilespmem:$0x19300] =	vst v0  }
0xdc: {  	[tilespmem:$0x19310] =	vst v0  }
0xdd: {  	[tilespmem:s11], [sflag:$0x5] =	stream.linear.gather [hbm4b:s5+s4], $0x2710, $0x38;
	[tilespmem:$0x1FDB0] =	vst v63  }
0xde: {  	_ =	swait.ge [sflag:s12], $0x2710  }
0xdf: {  	[sflag:s12] =	ssyncset.done $0x0  }
0xe0: {  	[sflag:s12] =	ssyncadd.s32 $0xFFFFD8F0  }
0xe1: {  	[tilespmem:s13], [sflag:$0x5] =	stream.linear.gather [hbm4b:s6+s4], $0x2710, $0x38;
	[tilespmem:$0x1FDB0] =	vst v63  }
0xe2: {  	_ =	swait.ge [sflag:s12], $0x2710  }
0xe3: {  	[sflag:s12] =	ssyncset.done $0x0  }
0xe4: {  	s30 =	sadd.s32 $0x0, s10;
	[sflag:s12] =	ssyncadd.s32 $0xFFFFD8F0  }
0xe5: {  	[spmem:s30] =	stream.linear.scatter [tilespmem:s14], [sflag:$0x5], $0xC80, $0x38;
	[tilespmem:$0x1FDB0] =	vst v63  }
0xe6: {  	s30 =	simm.s32 $0x3200;
	_ =	swait.ge [sflag:s12], $0xC80  }
.LBB2_2:
0xe7: {  	s31 =	sshra.s32 s30, $0x2;
	[sflag:s12] =	ssyncset.done $0x0;
	p0 =	sne.s32 s30, $0x4B000  }
.Ltmp0:
0xe8: {  	s31 =	sadd.s32 s31, s10;
	[sflag:s12] =	ssyncadd.s32 $0xFFFFF380;
	(pc) =	sbr.rel @p0 .LBB2_2-.Ltmp0, $3  }
0xe9: {  	[spmem:s31] =	stream.linear.scatter [tilespmem:s14], [sflag:$0x5], $0xC80, $0x38;
	[tilespmem:$0x1FDB0] =	vst v63  }
0xea: {  	s30 =	sadd.s32 $0x3200, s30;
	_ =	sdelay $0x1  }
0xeb: {  	_ =	swait.ge [sflag:s12], $0xC80  }
0xec: {  	[sflag:s12] =	ssyncset.done $0x0  }
0xed: {  	s30 =	simm.s32 $0x40;
	s31 =	simm.s32 $0x0;
	[sflag:s12] =	ssyncadd.s32 $0xFFFFF380  }
.LBB2_4:
0xee: {  	p0 =	sne.s32 s30, $0x9C00;
	[tilespmem:s31+$0x1D6A0] =	vst v0;
	s31 =	smov.u32 s30;
	s30 =	sadd.s32 $0x40, s30  }
.Ltmp1:
0xef: {  	(pc) =	sbr.rel @p0 .LBB2_4-.Ltmp1, $2  }
0xf0: {  	_ =	sdelay $0x2  }
0xf1: {  	s31 =	sshra.s32 s31, $0x2  }
0xf2: {  	[tilespmem:s31+$0x1D6A0] =	vst v0  }
0xf3: {  	[bflag:$0x0] =	sbarrier.arrive $0xFFFF  }
0xf4: {  	[tilespmem:s14], [sflag:$0x1] =	stream.indirect.gather [hbm4b:s1+s15], $0x80, s11, s15, $0xb8;
	[tilespmem:$0x1FDB0] =	vst v63  }
0xf5: {  	s30 =	simm.s32 $0x0  }
0xf6: {  	[tilespmem:s17], [sflag:$0x2] =	stream.indirect.gather [hbm4b:s1+s15], $0x80, s16, s15, $0xb8;
	[tilespmem:$0x1FDB0] =	vst v63  }
.LBB2_6:
0xf7: {  	_ =	swait.ge [sflag:s18], $0x2800  }
0xf8: {  	s31 =	sshra.s32 s30, $0x2;
	[sflag:s18] =	ssyncset.done $0x0  }
0xf9: {  	s2 =	sadd.s32 $0x15F90, s31;
	[sflag:s18] =	ssyncadd.s32 $0xFFFFD800  }
0xfa: {  	[spmem:s3] =	stream.indirect.scatter.add.f32 [tilespmem:s14], [sflag:$0x3], $0x80, s2, s15, $0xb8;
	[tilespmem:$0x1FDB0] =	vst v63  }
0xfb: {  	v2 =	vld [tilespmem:s31+$0x15F90];
	_ =	sdelay $0x7  }
0xfc: {  	[tilespmem:v2+s19+$0x0] =	vst.idx.add.f32.msk $0xffff, v1  }
0xfd: {  	v2 =	vld [tilespmem:s31+$0x15FA0];
	_ =	sdelay $0x7  }
0xfe: {  	[tilespmem:v2+s19+$0x0] =	vst.idx.add.f32.msk $0xffff, v1  }
0xff: {  	v2 =	vld [tilespmem:s31+$0x15FB0];
	_ =	sdelay $0x7  }
0x100: {  	[tilespmem:v2+s19+$0x0] =	vst.idx.add.f32.msk $0xffff, v1  }
0x101: {  	v2 =	vld [tilespmem:s31+$0x15FC0];
	_ =	sdelay $0x7  }
0x102: {  	[tilespmem:v2+s19+$0x0] =	vst.idx.add.f32.msk $0xffff, v1  }
0x103: {  	v2 =	vld [tilespmem:s31+$0x15FD0];
	_ =	sdelay $0x7  }
0x104: {  	[tilespmem:v2+s19+$0x0] =	vst.idx.add.f32.msk $0xffff, v1  }
0x105: {  	_ =	swait.ge [sflag:s20], $0x2800  }
0x106: {  	[sflag:s20] =	ssyncset.done $0x0  }
0x107: {  	s2 =	sadd.s32 $0x15FE0, s31;
	[sflag:s20] =	ssyncadd.s32 $0xFFFFD800  }
0x108: {  	[spmem:s3] =	stream.indirect.scatter.add.f32 [tilespmem:s17], [sflag:$0x4], $0x80, s2, s15, $0xb8;
	[tilespmem:$0x1FDB0] =	vst v63  }
0x109: {  	_ =	swait.ge [sflag:s21], $0x2800  }
0x10a: {  	[sflag:s21] =	ssyncset.done $0x0  }
0x10b: {  	s2 =	sadd.s32 $0x13920, s31;
	[sflag:s21] =	ssyncadd.s32 $0xFFFFD800  }
0x10c: {  	[tilespmem:s14], [sflag:$0x1] =	stream.indirect.gather [hbm4b:s1+s15], $0x80, s2, s15, $0xb8;
	[tilespmem:$0x1FDB0] =	vst v63  }
0x10d: {  	v2 =	vld [tilespmem:s31+$0x15FE0];
	_ =	sdelay $0x7  }
0x10e: {  	[tilespmem:v2+s19+$0x0] =	vst.idx.add.f32.msk $0xffff, v1  }
0x10f: {  	v2 =	vld [tilespmem:s31+$0x15FF0];
	_ =	sdelay $0x7  }
0x110: {  	[tilespmem:v2+s19+$0x0] =	vst.idx.add.f32.msk $0xffff, v1  }
0x111: {  	v2 =	vld [tilespmem:s31+$0x16000];
	_ =	sdelay $0x7  }
0x112: {  	[tilespmem:v2+s19+$0x0] =	vst.idx.add.f32.msk $0xffff, v1  }
0x113: {  	v2 =	vld [tilespmem:s31+$0x16010];
	_ =	sdelay $0x7  }
0x114: {  	[tilespmem:v2+s19+$0x0] =	vst.idx.add.f32.msk $0xffff, v1  }
0x115: {  	v2 =	vld [tilespmem:s31+$0x16020];
	_ =	sdelay $0x6  }
0x116: {  	p0 =	sne.s32 s30, $0x9600  }
.Ltmp2:
0x117: {  	[tilespmem:v2+s19+$0x0] =	vst.idx.add.f32.msk $0xffff, v1;
	(pc) =	sbr.rel @p0 .LBB2_6-.Ltmp2, $4  }
0x118: {  	_ =	swait.ge [sflag:s22], $0x2800  }
0x119: {  	[sflag:s22] =	ssyncset.done $0x0  }
0x11a: {  	s30 =	sadd.s32 $0x280, s30;
	s31 =	sadd.s32 $0x13970, s31;
	[sflag:s22] =	ssyncadd.s32 $0xFFFFD800  }
0x11b: {  	[tilespmem:s17], [sflag:$0x2] =	stream.indirect.gather [hbm4b:s1+s15], $0x80, s31, s15, $0xb8;
	[tilespmem:$0x1FDB0] =	vst v63  }
0x11c: {  	_ =	swait.ge [sflag:s18], $0x2800  }
0x11d: {  	[sflag:s18] =	ssyncset.done $0x0  }
0x11e: {  	[sflag:s18] =	ssyncadd.s32 $0xFFFFD800  }
0x11f: {  	[spmem:s3] =	stream.indirect.scatter.add.f32 [tilespmem:s14], [sflag:$0x3], $0x80, s23, s15, $0xb8;
	[tilespmem:$0x1FDB0] =	vst v63  }
0x120: {  	v2 =	vld [tilespmem:$0x185B0];
	_ =	sdelay $0x7  }
0x121: {  	[tilespmem:v2+s19+$0x0] =	vst.idx.add.f32.msk $0xffff, v1  }
0x122: {  	v2 =	vld [tilespmem:$0x185C0];
	_ =	sdelay $0x7  }
0x123: {  	[tilespmem:v2+s19+$0x0] =	vst.idx.add.f32.msk $0xffff, v1  }
0x124: {  	v2 =	vld [tilespmem:$0x185D0];
	_ =	sdelay $0x7  }
0x125: {  	[tilespmem:v2+s19+$0x0] =	vst.idx.add.f32.msk $0xffff, v1  }
0x126: {  	v2 =	vld [tilespmem:$0x185E0];
	_ =	sdelay $0x7  }
0x127: {  	[tilespmem:v2+s19+$0x0] =	vst.idx.add.f32.msk $0xffff, v1  }
0x128: {  	v2 =	vld [tilespmem:$0x185F0];
	_ =	sdelay $0x7  }
0x129: {  	[tilespmem:v2+s19+$0x0] =	vst.idx.add.f32.msk $0xffff, v1  }
0x12a: {  	_ =	swait.ge [sflag:s20], $0x2800  }
0x12b: {  	[sflag:s20] =	ssyncset.done $0x0  }
0x12c: {  	[sflag:s20] =	ssyncadd.s32 $0xFFFFD800  }
0x12d: {  	[spmem:s3] =	stream.indirect.scatter.add.f32 [tilespmem:s17], [sflag:$0x4], $0x80, s24, s15, $0xb8;
	[tilespmem:$0x1FDB0] =	vst v63  }
0x12e: {  	_ =	swait.ge [sflag:s21], $0x2800  }
0x12f: {  	[sflag:s21] =	ssyncset.done $0x0  }
0x130: {  	[sflag:s21] =	ssyncadd.s32 $0xFFFFD800  }
0x131: {  	[tilespmem:s14], [sflag:$0x1] =	stream.indirect.gather [hbm4b:s1+s15], $0x80, s26, s15, $0xb8;
	[tilespmem:$0x1FDB0] =	vst v63  }
0x132: {  	v2 =	vld [tilespmem:$0x18600];
	_ =	sdelay $0x7  }
0x133: {  	[tilespmem:v2+s19+$0x0] =	vst.idx.add.f32.msk $0xffff, v1  }
0x134: {  	v2 =	vld [tilespmem:$0x18610];
	_ =	sdelay $0x7  }
0x135: {  	[tilespmem:v2+s19+$0x0] =	vst.idx.add.f32.msk $0xffff, v1  }
0x136: {  	v2 =	vld [tilespmem:$0x18620];
	_ =	sdelay $0x7  }
0x137: {  	[tilespmem:v2+s19+$0x0] =	vst.idx.add.f32.msk $0xffff, v1  }
0x138: {  	v2 =	vld [tilespmem:$0x18630];
	_ =	sdelay $0x7  }
0x139: {  	[tilespmem:v2+s19+$0x0] =	vst.idx.add.f32.msk $0xffff, v1  }
0x13a: {  	v2 =	vld [tilespmem:$0x18640];
	_ =	sdelay $0x7  }
0x13b: {  	[tilespmem:v2+s19+$0x0] =	vst.idx.add.f32.msk $0xffff, v1  }
0x13c: {  	_ =	swait.ge [sflag:s22], $0x2800  }
0x13d: {  	[sflag:s22] =	ssyncset.done $0x0  }
0x13e: {  	[sflag:s22] =	ssyncadd.s32 $0xFFFFD800  }
0x13f: {  	[tilespmem:s17], [sflag:$0x2] =	stream.indirect.gather [hbm4b:s1+s15], $0x80, s26, s15, $0xb8;
	[tilespmem:$0x1FDB0] =	vst v63  }
0x140: {  	_ =	swait.ge [sflag:s18], $0x2800  }
0x141: {  	[sflag:s18] =	ssyncset.done $0x0  }
0x142: {  	[sflag:s18] =	ssyncadd.s32 $0xFFFFD800  }
0x143: {  	[spmem:s3] =	stream.indirect.scatter.add.f32 [tilespmem:s14], [sflag:$0x3], $0x80, s28, s15, $0xb8;
	[tilespmem:$0x1FDB0] =	vst v63  }
0x144: {  	v2 =	vld [tilespmem:$0x18650];
	_ =	sdelay $0x7  }
0x145: {  	[tilespmem:v2+s19+$0x0] =	vst.idx.add.f32.msk $0xffff, v1  }
0x146: {  	v2 =	vld [tilespmem:$0x18660];
	_ =	sdelay $0x7  }
0x147: {  	[tilespmem:v2+s19+$0x0] =	vst.idx.add.f32.msk $0xffff, v1  }
0x148: {  	v2 =	vld [tilespmem:$0x18670];
	_ =	sdelay $0x7  }
0x149: {  	[tilespmem:v2+s19+$0x0] =	vst.idx.add.f32.msk $0xffff, v1  }
0x14a: {  	v2 =	vld [tilespmem:$0x18680];
	_ =	sdelay $0x7  }
0x14b: {  	[tilespmem:v2+s19+$0x0] =	vst.idx.add.f32.msk $0xffff, v1  }
0x14c: {  	v2 =	vld [tilespmem:$0x18690];
	_ =	sdelay $0x7  }
0x14d: {  	[tilespmem:v2+s19+$0x0] =	vst.idx.add.f32.msk $0xffff, v1  }
0x14e: {  	_ =	swait.ge [sflag:s20], $0x2800  }
0x14f: {  	[sflag:s20] =	ssyncset.done $0x0  }
0x150: {  	[sflag:s20] =	ssyncadd.s32 $0xFFFFD800  }
0x151: {  	_ =	swait.ge [sflag:s21], $0x2800  }
0x152: {  	[sflag:s21] =	ssyncset.done $0x0  }
0x153: {  	s2 =	sshll.u32 s0, $0x6;
	[sflag:s21] =	ssyncadd.s32 $0xFFFFD800  }
0x154: {  	s2 =	sor.u32 $0x1C05, s2;
	[bflag:$0x0] =	sbarrier.arrive $0xFFFF  }
0x155: {  	[hbm:s7], [sflag:s2] =	dma.local [spmem:s25], $0x2710  }
0x156: {  	s29 =	sadd.s32 $0x1, s29;
	_ =	swait.ge [sflag:s12], $0x2710  }
0x157: {  	p0 =	sne.s32 s29, s9;
	[sflag:s12] =	ssyncset.done $0x0  }
.Ltmp3:
0x158: {  	[sflag:s12] =	ssyncadd.s32 $0xFFFFD8F0;
	(pc) =	sbr.rel @p0 .LBB2_1-.Ltmp3, $4  }
0x159: {  	[hbm4b:s8+s4] =	stream.linear.scatter [tilespmem:s19], [sflag:$0x5], $0x2710, $0x38;
	[tilespmem:$0x1FDB0] =	vst v63  }
0x15a: {  	_ =	swait.ge [sflag:s12], $0x2710  }
0x15b: {  	[sflag:s12] =	ssyncset.done $0x0  }
0x15c: {  	[sflag:s12] =	ssyncadd.s32 $0xFFFFD8F0  }
0x15d: {  	_ =	sfence.sel $0x180000  }
0x15e: {  	[bflag:$0x0] =	sbarrier.arrive $0xFFFF  }
0x15f: {  	_ =	strace $0x90000047  }
0x160: {  	[bflag:$0x2] =	sbarrier.arrive $0xFFFF  }
0x161: {  	p0 =	sne.s32 s0, $0x0;
	s0 =	rddreg [dreg:$0x4]  }
0x162: {  	s0 =	sadd.s32 @!p0 $0x100000, s0  }
0x163: {  	[sflag:s0] =	ssyncadd.tile.s32 @!p0 $0x1;
	_ =	shalt  }
.Lfunc_end2:
_tile_overlayer_lowered:
.L_overlay_start_2:
0x164: {  	(tag) =	ssettag $0x2  }
0x165: {  	s0 =	rddreg [dreg:$0x0];
	s2 =	stileid.u32  }
0x166: {  	s1 =	rddreg [dreg:$0x1];
	p0 =	sne.s32 s2, $0x0  }
0x167: {  	s3 =	rddreg [dreg:$0x2];
	[bflag:$0x3] =	sbarrier.arrive $0xFFFF;
	s2 =	simm.s32 @!p0 $0x1C05  }
0x168: {  	[timem:s3], [sflag:s2] =	dma.local @!p0 [hbm:s0], s1  }
0x169: {  	s0 =	simm.s32 @!p0 $0x5  }
0x16a: {  	_ =	swait.ge @!p0 [sflag:s0], s1  }
0x16b: {  	s1 =	ssub.s32 @!p0 $0x0, s1;
	[sflag:s0] =	ssyncset.done @!p0 $0x0  }
0x16c: {  	[sflag:s0] =	ssyncadd.s32 @!p0 s1  }
0x16d: {  	[bflag:$0x3] =	sbarrier.arrive $0xFFFF  }
0x16e: {  	_ =	shalt  }

</sc_bundles>
